<compile_context>
chip_gen: v7x
topology: tpu7x:2x2x1
jax: 0.10.2.dev20260603
libtpu: 0.0.44.dev20260713+nightly
codegen_flags: <defaults>
</compile_context>

<pallas_src>
import functools

import jax
import jax.numpy as jnp
from jax import lax
from jax.experimental import pallas as pl
from jax.experimental.pallas import tpu as pltpu
from jax.experimental.pallas import tpu_sc as plsc

_N = 10000
_E = 320000
_D = 128
_NC = 2
_NS = 16
_NW = _NC * _NS
_EW = _E // _NW
_K = 80
_CH = _EW // _K
_RT = 632
_NP = _NS * _RT
_CW = 8
_ZR = 128


@functools.cache
def _build_sc():
    mesh = plsc.VectorSubcoreMesh(core_axis_name="c", subcore_axis_name="s")
    return functools.partial(
        pl.kernel,
        out_type=(jax.ShapeDtypeStruct((_NC, _NP, _D), jnp.float32),
                  jax.ShapeDtypeStruct((_NC, _NP, _CW), jnp.float32)),
        mesh=mesh,
        scratch_types=[
            pltpu.VMEM_SHARED((_NP, _D), jnp.float32),
            pltpu.VMEM_SHARED((_NP, _CW), jnp.float32),
            pltpu.VMEM((_CH, _K), jnp.int32),
            pltpu.VMEM((_CH, _K), jnp.int32),
            pltpu.VMEM((_K, _D), jnp.float32),
            pltpu.VMEM((_K, _D), jnp.float32),
            pltpu.VMEM((_K, _CW), jnp.float32),
            pltpu.SemaphoreType.DMA,
            pltpu.SemaphoreType.DMA,
            pltpu.SemaphoreType.DMA,
            pltpu.SemaphoreType.DMA,
        ],
        compiler_params=pltpu.CompilerParams(use_tc_tiling_on_sc=False),
    )(_sc_scatter)


def _sc_scatter(x, src3, dst3, zeros, zc, ones, acc_out, cnt_out,
                acc_sh, cnt_sh, src_a, dst_a, b0, b1, ones_v, g0, g1, c0, c1):
    cid = lax.axis_index("c")
    sid = lax.axis_index("s")
    wid = sid * _NC + cid
    r0 = sid * _RT

    rem = _RT % _ZR
    sems = (g0, g1, c0, c1)
    pend = []
    for t in range(_RT // _ZR):
        pend.append(pltpu.async_copy(
            zeros, acc_sh.at[pl.ds(r0 + t * _ZR, _ZR)], sems[t % 4]))
        pend.append(pltpu.async_copy(
            zc, cnt_sh.at[pl.ds(r0 + t * _ZR, _ZR)], sems[(t + 1) % 4]))
    pend.append(pltpu.async_copy(
        zeros.at[pl.ds(0, rem)],
        acc_sh.at[pl.ds(r0 + _RT - rem, rem)], g0))
    pend.append(pltpu.async_copy(
        zc.at[pl.ds(0, rem)],
        cnt_sh.at[pl.ds(r0 + _RT - rem, rem)], g1))
    pend.append(pltpu.async_copy(src3.at[wid], src_a, c0))
    pend.append(pltpu.async_copy(dst3.at[wid], dst_a, c1))
    pend.append(pltpu.async_copy(ones, ones_v, g0))
    for dsc in pend:
        dsc.wait()
    plsc.subcore_barrier()

    def start(i, buf, gsem):
        pltpu.async_copy(x.at[src_a.at[i]], buf, gsem)

    def fin(i, buf, gsem, csem):
        pltpu.make_async_copy(x.at[src_a.at[i]], buf, gsem).wait()
        pltpu.sync_copy(buf, acc_sh.at[dst_a.at[i]], add=True)

        @pl.when(i >= 2)
        def _():
            pltpu.make_async_copy(ones_v, cnt_sh.at[dst_a.at[i]], csem).wait()

        pltpu.async_copy(ones_v, cnt_sh.at[dst_a.at[i]], csem, add=True)

    start(0, b0, g0)

    def body(j, carry):
        i = 2 * j
        start(i + 1, b1, g1)
        fin(i, b0, g0, c0)
        start(i + 2, b0, g0)
        fin(i + 1, b1, g1, c1)
        return carry

    lax.fori_loop(0, (_CH - 1) // 2, body, 0)
    if _CH % 2 == 0:
        start(_CH - 1, b1, g1)
        fin(_CH - 2, b0, g0, c0)
        fin(_CH - 1, b1, g1, c1)
    else:
        fin(_CH - 1, b0, g0, c0)
    pltpu.make_async_copy(ones_v, cnt_sh.at[dst_a.at[0]], c1).wait()
    pltpu.make_async_copy(ones_v, cnt_sh.at[dst_a.at[0]], c0).wait()

    plsc.subcore_barrier()
    pltpu.sync_copy(acc_sh.at[pl.ds(r0, _RT)],
                    acc_out.at[cid, pl.ds(r0, _RT)])
    pltpu.sync_copy(cnt_sh.at[pl.ds(r0, _RT)],
                    cnt_out.at[cid, pl.ds(r0, _RT)])


_BN = 1000


def _tc_body(p_ref, cnt_ref, x_ref, wl_ref, wr_ref, b_ref, o_ref):
    s = p_ref[0] + p_ref[1]
    c = jnp.maximum(cnt_ref[0, :, 0:1] + cnt_ref[1, :, 0:1], 1.0)
    mean = s / c
    o_ref[...] = (
        jnp.dot(mean, wl_ref[...], preferred_element_type=jnp.float32)
        + jnp.dot(x_ref[...], wr_ref[...], preferred_element_type=jnp.float32)
        + b_ref[...]
    )


def _tc_combine(p, cnt, x, wl, wr, b):
    return pl.pallas_call(
        _tc_body,
        grid=(_N // _BN,),
        in_specs=[
            pl.BlockSpec((_NC, _BN, _D), lambda i: (0, i, 0)),
            pl.BlockSpec((_NC, _BN, _CW), lambda i: (0, i, 0)),
            pl.BlockSpec((_BN, _D), lambda i: (i, 0)),
            pl.BlockSpec((_D, _D), lambda i: (0, 0)),
            pl.BlockSpec((_D, _D), lambda i: (0, 0)),
            pl.BlockSpec((1, _D), lambda i: (0, 0)),
        ],
        out_specs=pl.BlockSpec((_BN, _D), lambda i: (i, 0)),
        out_shape=jax.ShapeDtypeStruct((_N, _D), jnp.float32),
    )(p, cnt, x, wl, wr, b)


def kernel(x, edge_index, W1_l, b1_l, W1_r, W2_l, b2_l, W2_r):
    src3 = edge_index[0].reshape(_NW, _CH, _K)
    dst3 = edge_index[1].reshape(_NW, _CH, _K)
    zeros = jnp.zeros((_ZR, _D), jnp.float32)
    zc = jnp.zeros((_ZR, _CW), jnp.float32)
    ones = jnp.ones((_K, _CW), jnp.float32)
    acc, cnt = _build_sc()(x, src3, dst3, zeros, zc, ones)
    return _tc_combine(acc, cnt, x, W2_l, W2_r, b2_l.reshape(1, _D))

# --- scband reference (transcript-rebuilt; emitter-appended) ---
"""Pipeline reference for scband-gnn-48988396978297 (READ-ONLY COPY).

The authoritative reference and input builder live on the scoring server;
editing this copy changes nothing except your own understanding.
"""

import jax, jax.numpy as jnp
import numpy as np

N = 10000
E = 320000
D = 128


def _sage_conv(x, edge_index, W_l, b_l, W_r):
    # PyG SAGEConv (mean aggregation): out = lin_l(mean_j x_j) + lin_r(x_i)
    src = edge_index[0]
    dst = edge_index[1]
    msgs = jnp.take(x, src, axis=0)  # gather [E, D]
    summed = jax.ops.segment_sum(msgs, dst, num_segments=x.shape[0])
    cnt = jax.ops.segment_sum(jnp.ones((msgs.shape[0],), dtype=x.dtype), dst, num_segments=x.shape[0])
    mean = summed / jnp.clip(cnt, 1.0)[:, None]
    return mean @ W_l + b_l + x @ W_r


def setup_inputs(seed: int = 0) -> dict:
    key = jax.random.key(seed)
    ks = jax.random.split(key, 8)
    x = jax.random.normal(ks[0], (N, D), dtype=jnp.float32)
    edge_index = jax.random.randint(ks[1], (2, E), 0, N, dtype=jnp.int32)
    s = 1.0 / np.sqrt(D)
    W1_l = jax.random.uniform(ks[2], (D, D), dtype=jnp.float32, minval=-s, maxval=s)
    b1_l = jnp.zeros((D,), dtype=jnp.float32)
    W1_r = jax.random.uniform(ks[3], (D, D), dtype=jnp.float32, minval=-s, maxval=s)
    W2_l = jax.random.uniform(ks[4], (D, D), dtype=jnp.float32, minval=-s, maxval=s)
    b2_l = jnp.zeros((D,), dtype=jnp.float32)
    W2_r = jax.random.uniform(ks[5], (D, D), dtype=jnp.float32, minval=-s, maxval=s)
    return {"x": x, "edge_index": edge_index, "W1_l": W1_l, "b1_l": b1_l, "W1_r": W1_r, "W2_l": W2_l, "b2_l": b2_l, "W2_r": W2_r}


def reference(x, edge_index, W1_l, b1_l, W1_r, W2_l, b2_l, W2_r):
    # Faithful to the original forward: conv1+relu result is computed but then
    # overwritten; the returned value is conv2 applied to the ORIGINAL x_src.
    h1 = jax.nn.relu(_sage_conv(x, edge_index, W1_l, b1_l, W1_r))  # dead, per original code
    out = _sage_conv(x, edge_index, W2_l, b2_l, W2_r)
    return out

if __name__ == "__main__":
    import jax
    _d = setup_inputs()
    print(jax.jit(kernel)(*tuple(_d.values())))

</pallas_src>

<mosaic_0001>
#map = affine_map<(d0, d1) -> (0, 0)>
#map1 = affine_map<(d0, d1) -> (0, 0, 0)>
module attributes {stable_mosaic.version = 14 : i64} {
  func.func @_sc_scatter(%arg0: i32, %arg1: i32, %arg2: memref<10000x128xf32, #tpu.memory_space<hbm>>, %arg3: memref<32x125x80xi32, #tpu.memory_space<hbm>>, %arg4: memref<32x125x80xi32, #tpu.memory_space<hbm>>, %arg5: memref<128x128xf32, #tpu.memory_space<hbm>>, %arg6: memref<128x8xf32, #tpu.memory_space<hbm>>, %arg7: memref<80x8xf32, #tpu.memory_space<hbm>>, %arg8: memref<2x10112x128xf32, #tpu.memory_space<hbm>>, %arg9: memref<2x10112x8xf32, #tpu.memory_space<hbm>>, %arg10: memref<10112x128xf32, #tpu.memory_space<vmem_shared>>, %arg11: memref<10112x8xf32, #tpu.memory_space<vmem_shared>>, %arg12: memref<125x80xi32, #tpu.memory_space<vmem>>, %arg13: memref<125x80xi32, #tpu.memory_space<vmem>>, %arg14: memref<80x128xf32, #tpu.memory_space<vmem>>, %arg15: memref<80x128xf32, #tpu.memory_space<vmem>>, %arg16: memref<80x8xf32, #tpu.memory_space<vmem>>, %arg17: memref<!tpu.dma_semaphore, #tpu.memory_space<semaphore_mem>>, %arg18: memref<!tpu.dma_semaphore, #tpu.memory_space<semaphore_mem>>, %arg19: memref<!tpu.dma_semaphore, #tpu.memory_space<semaphore_mem>>, %arg20: memref<!tpu.dma_semaphore, #tpu.memory_space<semaphore_mem>>) attributes {dimension_semantics = [#tpu.dimension_semantics<core_parallel>, #tpu.dimension_semantics<subcore_parallel>], iteration_bounds = array<i64: 2, 16>, scalar_prefetch = 0 : i64, scratch_operands = 11 : i64, tpu.core_type = #tpu.core_type<sc_vector_subcore>, window_params = [{transform_indices = #map}, {transform_indices = #map1}, {transform_indices = #map1}, {transform_indices = #map}, {transform_indices = #map}, {transform_indices = #map}, {transform_indices = #map1}, {transform_indices = #map1}]} {
    %mul3A = arith.constant 2 : i32
    %mul3A_0 = arith.muli %arg1, %mul3A : i32
    %add3A = arith.addi %mul3A_0, %arg0 : i32
    %mul3A_1 = arith.constant 632 : i32
    %mul3A_2 = arith.muli %arg1, %mul3A_1 : i32
    %add3A_3 = arith.constant 0 : i32
    %add3A_4 = arith.addi %mul3A_2, %add3A_3 : i32
    %dma_start3A = arith.constant 0 : i32
    %dma_start3A_5 = tpu.memref_slice %arg10[%add3A_4, %dma_start3A] : memref<10112x128xf32, #tpu.memory_space<vmem_shared>> -> memref<128x128xf32, #tpu.memory_space<vmem_shared>>
    tpu.enqueue_dma source(%arg5 : memref<128x128xf32, #tpu.memory_space<hbm>>) target(%dma_start3A_5 : memref<128x128xf32, #tpu.memory_space<vmem_shared>>) target_semaphore(%arg17 : memref<!tpu.dma_semaphore, #tpu.memory_space<semaphore_mem>>)
    %add3A_6 = arith.constant 0 : i32
    %add3A_7 = arith.addi %mul3A_2, %add3A_6 : i32
    %dma_start3A_8 = arith.constant 0 : i32
    %dma_start3A_9 = tpu.memref_slice %arg11[%add3A_7, %dma_start3A_8] : memref<10112x8xf32, #tpu.memory_space<vmem_shared>> -> memref<128x8xf32, #tpu.memory_space<vmem_shared>>
    tpu.enqueue_dma source(%arg6 : memref<128x8xf32, #tpu.memory_space<hbm>>) target(%dma_start3A_9 : memref<128x8xf32, #tpu.memory_space<vmem_shared>>) target_semaphore(%arg18 : memref<!tpu.dma_semaphore, #tpu.memory_space<semaphore_mem>>)
    %add3A_10 = arith.constant 128 : i32
    %add3A_11 = arith.addi %mul3A_2, %add3A_10 : i32
    %dma_start3A_12 = arith.constant 0 : i32
    %dma_start3A_13 = tpu.memref_slice %arg10[%add3A_11, %dma_start3A_12] : memref<10112x128xf32, #tpu.memory_space<vmem_shared>> -> memref<128x128xf32, #tpu.memory_space<vmem_shared>>
    tpu.enqueue_dma source(%arg5 : memref<128x128xf32, #tpu.memory_space<hbm>>) target(%dma_start3A_13 : memref<128x128xf32, #tpu.memory_space<vmem_shared>>) target_semaphore(%arg18 : memref<!tpu.dma_semaphore, #tpu.memory_space<semaphore_mem>>)
    %add3A_14 = arith.constant 128 : i32
    %add3A_15 = arith.addi %mul3A_2, %add3A_14 : i32
    %dma_start3A_16 = arith.constant 0 : i32
    %dma_start3A_17 = tpu.memref_slice %arg11[%add3A_15, %dma_start3A_16] : memref<10112x8xf32, #tpu.memory_space<vmem_shared>> -> memref<128x8xf32, #tpu.memory_space<vmem_shared>>
    tpu.enqueue_dma source(%arg6 : memref<128x8xf32, #tpu.memory_space<hbm>>) target(%dma_start3A_17 : memref<128x8xf32, #tpu.memory_space<vmem_shared>>) target_semaphore(%arg19 : memref<!tpu.dma_semaphore, #tpu.memory_space<semaphore_mem>>)
    %add3A_18 = arith.constant 256 : i32
    %add3A_19 = arith.addi %mul3A_2, %add3A_18 : i32
    %dma_start3A_20 = arith.constant 0 : i32
    %dma_start3A_21 = tpu.memref_slice %arg10[%add3A_19, %dma_start3A_20] : memref<10112x128xf32, #tpu.memory_space<vmem_shared>> -> memref<128x128xf32, #tpu.memory_space<vmem_shared>>
    tpu.enqueue_dma source(%arg5 : memref<128x128xf32, #tpu.memory_space<hbm>>) target(%dma_start3A_21 : memref<128x128xf32, #tpu.memory_space<vmem_shared>>) target_semaphore(%arg19 : memref<!tpu.dma_semaphore, #tpu.memory_space<semaphore_mem>>)
    %add3A_22 = arith.constant 256 : i32
    %add3A_23 = arith.addi %mul3A_2, %add3A_22 : i32
    %dma_start3A_24 = arith.constant 0 : i32
    %dma_start3A_25 = tpu.memref_slice %arg11[%add3A_23, %dma_start3A_24] : memref<10112x8xf32, #tpu.memory_space<vmem_shared>> -> memref<128x8xf32, #tpu.memory_space<vmem_shared>>
    tpu.enqueue_dma source(%arg6 : memref<128x8xf32, #tpu.memory_space<hbm>>) target(%dma_start3A_25 : memref<128x8xf32, #tpu.memory_space<vmem_shared>>) target_semaphore(%arg20 : memref<!tpu.dma_semaphore, #tpu.memory_space<semaphore_mem>>)
    %add3A_26 = arith.constant 384 : i32
    %add3A_27 = arith.addi %mul3A_2, %add3A_26 : i32
    %dma_start3A_28 = arith.constant 0 : i32
    %dma_start3A_29 = tpu.memref_slice %arg10[%add3A_27, %dma_start3A_28] : memref<10112x128xf32, #tpu.memory_space<vmem_shared>> -> memref<128x128xf32, #tpu.memory_space<vmem_shared>>
    tpu.enqueue_dma source(%arg5 : memref<128x128xf32, #tpu.memory_space<hbm>>) target(%dma_start3A_29 : memref<128x128xf32, #tpu.memory_space<vmem_shared>>) target_semaphore(%arg20 : memref<!tpu.dma_semaphore, #tpu.memory_space<semaphore_mem>>)
    %add3A_30 = arith.constant 384 : i32
    %add3A_31 = arith.addi %mul3A_2, %add3A_30 : i32
    %dma_start3A_32 = arith.constant 0 : i32
    %dma_start3A_33 = tpu.memref_slice %arg11[%add3A_31, %dma_start3A_32] : memref<10112x8xf32, #tpu.memory_space<vmem_shared>> -> memref<128x8xf32, #tpu.memory_space<vmem_shared>>
    tpu.enqueue_dma source(%arg6 : memref<128x8xf32, #tpu.memory_space<hbm>>) target(%dma_start3A_33 : memref<128x8xf32, #tpu.memory_space<vmem_shared>>) target_semaphore(%arg17 : memref<!tpu.dma_semaphore, #tpu.memory_space<semaphore_mem>>)
    %add3A_34 = arith.constant 632 : i32
    %add3A_35 = arith.addi %mul3A_2, %add3A_34 : i32
    %sub3A = arith.constant 120 : i32
    %sub3A_36 = arith.subi %add3A_35, %sub3A : i32
    %dma_start3A_37 = arith.constant 0 : i32
    %dma_start3A_38 = tpu.memref_slice %arg10[%sub3A_36, %dma_start3A_37] : memref<10112x128xf32, #tpu.memory_space<vmem_shared>> -> memref<120x128xf32, #tpu.memory_space<vmem_shared>>
    %dma_start3A_39 = arith.constant 0 : i32
    %dma_start3A_40 = arith.constant 0 : i32
    %dma_start3A_41 = tpu.memref_slice %arg5[%dma_start3A_39, %dma_start3A_40] : memref<128x128xf32, #tpu.memory_space<hbm>> -> memref<120x128xf32, #tpu.memory_space<hbm>>
    tpu.enqueue_dma source(%dma_start3A_41 : memref<120x128xf32, #tpu.memory_space<hbm>>) target(%dma_start3A_38 : memref<120x128xf32, #tpu.memory_space<vmem_shared>>) target_semaphore(%arg17 : memref<!tpu.dma_semaphore, #tpu.memory_space<semaphore_mem>>)
    %add3A_42 = arith.constant 632 : i32
    %add3A_43 = arith.addi %mul3A_2, %add3A_42 : i32
    %sub3A_44 = arith.constant 120 : i32
    %sub3A_45 = arith.subi %add3A_43, %sub3A_44 : i32
    %dma_start3A_46 = arith.constant 0 : i32
    %dma_start3A_47 = tpu.memref_slice %arg11[%sub3A_45, %dma_start3A_46] : memref<10112x8xf32, #tpu.memory_space<vmem_shared>> -> memref<120x8xf32, #tpu.memory_space<vmem_shared>>
    %dma_start3A_48 = arith.constant 0 : i32
    %dma_start3A_49 = arith.constant 0 : i32
    %dma_start3A_50 = tpu.memref_slice %arg6[%dma_start3A_48, %dma_start3A_49] : memref<128x8xf32, #tpu.memory_space<hbm>> -> memref<120x8xf32, #tpu.memory_space<hbm>>
    tpu.enqueue_dma source(%dma_start3A_50 : memref<120x8xf32, #tpu.memory_space<hbm>>) target(%dma_start3A_47 : memref<120x8xf32, #tpu.memory_space<vmem_shared>>) target_semaphore(%arg18 : memref<!tpu.dma_semaphore, #tpu.memory_space<semaphore_mem>>)
    %dma_start3A_51 = arith.constant 0 : i32
    %dma_start3A_52 = arith.constant 0 : i32
    %dma_start3A_53 = tpu.memref_slice %arg3[%add3A, %dma_start3A_51, %dma_start3A_52] : memref<32x125x80xi32, #tpu.memory_space<hbm>> -> memref<1x125x80xi32, #tpu.memory_space<hbm>>
    %dma_start3A_54 = tpu.memref_squeeze %dma_start3A_53 : memref<1x125x80xi32, #tpu.memory_space<hbm>> -> memref<125x80xi32, #tpu.memory_space<hbm>>
    %dma_start3A_55 = arith.constant 0 : i32
    %dma_start3A_56 = arith.constant 0 : i32
    %dma_start3A_57 = tpu.memref_slice %arg3[%add3A, %dma_start3A_55, %dma_start3A_56] : memref<32x125x80xi32, #tpu.memory_space<hbm>> -> memref<1x125x80xi32, #tpu.memory_space<hbm>>
    %dma_start3A_58 = tpu.memref_squeeze %dma_start3A_57 : memref<1x125x80xi32, #tpu.memory_space<hbm>> -> memref<125x80xi32, #tpu.memory_space<hbm>>
    tpu.enqueue_dma source(%dma_start3A_58 : memref<125x80xi32, #tpu.memory_space<hbm>>) target(%arg12 : memref<125x80xi32, #tpu.memory_space<vmem>>) target_semaphore(%arg19 : memref<!tpu.dma_semaphore, #tpu.memory_space<semaphore_mem>>)
    %dma_start3A_59 = arith.constant 0 : i32
    %dma_start3A_60 = arith.constant 0 : i32
    %dma_start3A_61 = tpu.memref_slice %arg4[%add3A, %dma_start3A_59, %dma_start3A_60] : memref<32x125x80xi32, #tpu.memory_space<hbm>> -> memref<1x125x80xi32, #tpu.memory_space<hbm>>
    %dma_start3A_62 = tpu.memref_squeeze %dma_start3A_61 : memref<1x125x80xi32, #tpu.memory_space<hbm>> -> memref<125x80xi32, #tpu.memory_space<hbm>>
    %dma_start3A_63 = arith.constant 0 : i32
    %dma_start3A_64 = arith.constant 0 : i32
    %dma_start3A_65 = tpu.memref_slice %arg4[%add3A, %dma_start3A_63, %dma_start3A_64] : memref<32x125x80xi32, #tpu.memory_space<hbm>> -> memref<1x125x80xi32, #tpu.memory_space<hbm>>
    %dma_start3A_66 = tpu.memref_squeeze %dma_start3A_65 : memref<1x125x80xi32, #tpu.memory_space<hbm>> -> memref<125x80xi32, #tpu.memory_space<hbm>>
    tpu.enqueue_dma source(%dma_start3A_66 : memref<125x80xi32, #tpu.memory_space<hbm>>) target(%arg13 : memref<125x80xi32, #tpu.memory_space<vmem>>) target_semaphore(%arg20 : memref<!tpu.dma_semaphore, #tpu.memory_space<semaphore_mem>>)
    tpu.enqueue_dma source(%arg7 : memref<80x8xf32, #tpu.memory_space<hbm>>) target(%arg16 : memref<80x8xf32, #tpu.memory_space<vmem>>) target_semaphore(%arg17 : memref<!tpu.dma_semaphore, #tpu.memory_space<semaphore_mem>>)
    %dma_wait3A = arith.constant 0 : i32
    %dma_wait3A_67 = tpu.memref_slice %arg10[%add3A_4, %dma_wait3A] : memref<10112x128xf32, #tpu.memory_space<vmem_shared>> -> memref<128x128xf32, #tpu.memory_space<vmem_shared>>
    tpu.wait_dma2 semaphore(%arg17 : memref<!tpu.dma_semaphore, #tpu.memory_space<semaphore_mem>>) src(%arg5 : memref<128x128xf32, #tpu.memory_space<hbm>>) dst(%dma_wait3A_67 : memref<128x128xf32, #tpu.memory_space<vmem_shared>>)
    %dma_wait3A_68 = arith.constant 0 : i32
    %dma_wait3A_69 = tpu.memref_slice %arg11[%add3A_7, %dma_wait3A_68] : memref<10112x8xf32, #tpu.memory_space<vmem_shared>> -> memref<128x8xf32, #tpu.memory_space<vmem_shared>>
    tpu.wait_dma2 semaphore(%arg18 : memref<!tpu.dma_semaphore, #tpu.memory_space<semaphore_mem>>) src(%arg6 : memref<128x8xf32, #tpu.memory_space<hbm>>) dst(%dma_wait3A_69 : memref<128x8xf32, #tpu.memory_space<vmem_shared>>)
    %dma_wait3A_70 = arith.constant 0 : i32
    %dma_wait3A_71 = tpu.memref_slice %arg10[%add3A_11, %dma_wait3A_70] : memref<10112x128xf32, #tpu.memory_space<vmem_shared>> -> memref<128x128xf32, #tpu.memory_space<vmem_shared>>
    tpu.wait_dma2 semaphore(%arg18 : memref<!tpu.dma_semaphore, #tpu.memory_space<semaphore_mem>>) src(%arg5 : memref<128x128xf32, #tpu.memory_space<hbm>>) dst(%dma_wait3A_71 : memref<128x128xf32, #tpu.memory_space<vmem_shared>>)
    %dma_wait3A_72 = arith.constant 0 : i32
    %dma_wait3A_73 = tpu.memref_slice %arg11[%add3A_15, %dma_wait3A_72] : memref<10112x8xf32, #tpu.memory_space<vmem_shared>> -> memref<128x8xf32, #tpu.memory_space<vmem_shared>>
    tpu.wait_dma2 semaphore(%arg19 : memref<!tpu.dma_semaphore, #tpu.memory_space<semaphore_mem>>) src(%arg6 : memref<128x8xf32, #tpu.memory_space<hbm>>) dst(%dma_wait3A_73 : memref<128x8xf32, #tpu.memory_space<vmem_shared>>)
    %dma_wait3A_74 = arith.constant 0 : i32
    %dma_wait3A_75 = tpu.memref_slice %arg10[%add3A_19, %dma_wait3A_74] : memref<10112x128xf32, #tpu.memory_space<vmem_shared>> -> memref<128x128xf32, #tpu.memory_space<vmem_shared>>
    tpu.wait_dma2 semaphore(%arg19 : memref<!tpu.dma_semaphore, #tpu.memory_space<semaphore_mem>>) src(%arg5 : memref<128x128xf32, #tpu.memory_space<hbm>>) dst(%dma_wait3A_75 : memref<128x128xf32, #tpu.memory_space<vmem_shared>>)
    %dma_wait3A_76 = arith.constant 0 : i32
    %dma_wait3A_77 = tpu.memref_slice %arg11[%add3A_23, %dma_wait3A_76] : memref<10112x8xf32, #tpu.memory_space<vmem_shared>> -> memref<128x8xf32, #tpu.memory_space<vmem_shared>>
    tpu.wait_dma2 semaphore(%arg20 : memref<!tpu.dma_semaphore, #tpu.memory_space<semaphore_mem>>) src(%arg6 : memref<128x8xf32, #tpu.memory_space<hbm>>) dst(%dma_wait3A_77 : memref<128x8xf32, #tpu.memory_space<vmem_shared>>)
    %dma_wait3A_78 = arith.constant 0 : i32
    %dma_wait3A_79 = tpu.memref_slice %arg10[%add3A_27, %dma_wait3A_78] : memref<10112x128xf32, #tpu.memory_space<vmem_shared>> -> memref<128x128xf32, #tpu.memory_space<vmem_shared>>
    tpu.wait_dma2 semaphore(%arg20 : memref<!tpu.dma_semaphore, #tpu.memory_space<semaphore_mem>>) src(%arg5 : memref<128x128xf32, #tpu.memory_space<hbm>>) dst(%dma_wait3A_79 : memref<128x128xf32, #tpu.memory_space<vmem_shared>>)
    %dma_wait3A_80 = arith.constant 0 : i32
    %dma_wait3A_81 = tpu.memref_slice %arg11[%add3A_31, %dma_wait3A_80] : memref<10112x8xf32, #tpu.memory_space<vmem_shared>> -> memref<128x8xf32, #tpu.memory_space<vmem_shared>>
    tpu.wait_dma2 semaphore(%arg17 : memref<!tpu.dma_semaphore, #tpu.memory_space<semaphore_mem>>) src(%arg6 : memref<128x8xf32, #tpu.memory_space<hbm>>) dst(%dma_wait3A_81 : memref<128x8xf32, #tpu.memory_space<vmem_shared>>)
    %dma_wait3A_82 = arith.constant 0 : i32
    %dma_wait3A_83 = tpu.memref_slice %arg10[%sub3A_36, %dma_wait3A_82] : memref<10112x128xf32, #tpu.memory_space<vmem_shared>> -> memref<120x128xf32, #tpu.memory_space<vmem_shared>>
    %dma_wait3A_84 = arith.constant 0 : i32
    %dma_wait3A_85 = arith.constant 0 : i32
    %dma_wait3A_86 = tpu.memref_slice %arg5[%dma_wait3A_84, %dma_wait3A_85] : memref<128x128xf32, #tpu.memory_space<hbm>> -> memref<120x128xf32, #tpu.memory_space<hbm>>
    tpu.wait_dma2 semaphore(%arg17 : memref<!tpu.dma_semaphore, #tpu.memory_space<semaphore_mem>>) src(%dma_wait3A_86 : memref<120x128xf32, #tpu.memory_space<hbm>>) dst(%dma_wait3A_83 : memref<120x128xf32, #tpu.memory_space<vmem_shared>>)
    %dma_wait3A_87 = arith.constant 0 : i32
    %dma_wait3A_88 = tpu.memref_slice %arg11[%sub3A_45, %dma_wait3A_87] : memref<10112x8xf32, #tpu.memory_space<vmem_shared>> -> memref<120x8xf32, #tpu.memory_space<vmem_shared>>
    %dma_wait3A_89 = arith.constant 0 : i32
    %dma_wait3A_90 = arith.constant 0 : i32
    %dma_wait3A_91 = tpu.memref_slice %arg6[%dma_wait3A_89, %dma_wait3A_90] : memref<128x8xf32, #tpu.memory_space<hbm>> -> memref<120x8xf32, #tpu.memory_space<hbm>>
    tpu.wait_dma2 semaphore(%arg18 : memref<!tpu.dma_semaphore, #tpu.memory_space<semaphore_mem>>) src(%dma_wait3A_91 : memref<120x8xf32, #tpu.memory_space<hbm>>) dst(%dma_wait3A_88 : memref<120x8xf32, #tpu.memory_space<vmem_shared>>)
    %dma_wait3A_92 = arith.constant 0 : i32
    %dma_wait3A_93 = arith.constant 0 : i32
    %dma_wait3A_94 = tpu.memref_slice %arg3[%add3A, %dma_wait3A_92, %dma_wait3A_93] : memref<32x125x80xi32, #tpu.memory_space<hbm>> -> memref<1x125x80xi32, #tpu.memory_space<hbm>>
    %dma_wait3A_95 = tpu.memref_squeeze %dma_wait3A_94 : memref<1x125x80xi32, #tpu.memory_space<hbm>> -> memref<125x80xi32, #tpu.memory_space<hbm>>
    %dma_wait3A_96 = arith.constant 0 : i32
    %dma_wait3A_97 = arith.constant 0 : i32
    %dma_wait3A_98 = tpu.memref_slice %arg3[%add3A, %dma_wait3A_96, %dma_wait3A_97] : memref<32x125x80xi32, #tpu.memory_space<hbm>> -> memref<1x125x80xi32, #tpu.memory_space<hbm>>
    %dma_wait3A_99 = tpu.memref_squeeze %dma_wait3A_98 : memref<1x125x80xi32, #tpu.memory_space<hbm>> -> memref<125x80xi32, #tpu.memory_space<hbm>>
    tpu.wait_dma2 semaphore(%arg19 : memref<!tpu.dma_semaphore, #tpu.memory_space<semaphore_mem>>) src(%dma_wait3A_99 : memref<125x80xi32, #tpu.memory_space<hbm>>) dst(%arg12 : memref<125x80xi32, #tpu.memory_space<vmem>>)
    %dma_wait3A_100 = arith.constant 0 : i32
    %dma_wait3A_101 = arith.constant 0 : i32
    %dma_wait3A_102 = tpu.memref_slice %arg4[%add3A, %dma_wait3A_100, %dma_wait3A_101] : memref<32x125x80xi32, #tpu.memory_space<hbm>> -> memref<1x125x80xi32, #tpu.memory_space<hbm>>
    %dma_wait3A_103 = tpu.memref_squeeze %dma_wait3A_102 : memref<1x125x80xi32, #tpu.memory_space<hbm>> -> memref<125x80xi32, #tpu.memory_space<hbm>>
    %dma_wait3A_104 = arith.constant 0 : i32
    %dma_wait3A_105 = arith.constant 0 : i32
    %dma_wait3A_106 = tpu.memref_slice %arg4[%add3A, %dma_wait3A_104, %dma_wait3A_105] : memref<32x125x80xi32, #tpu.memory_space<hbm>> -> memref<1x125x80xi32, #tpu.memory_space<hbm>>
    %dma_wait3A_107 = tpu.memref_squeeze %dma_wait3A_106 : memref<1x125x80xi32, #tpu.memory_space<hbm>> -> memref<125x80xi32, #tpu.memory_space<hbm>>
    tpu.wait_dma2 semaphore(%arg20 : memref<!tpu.dma_semaphore, #tpu.memory_space<semaphore_mem>>) src(%dma_wait3A_107 : memref<125x80xi32, #tpu.memory_space<hbm>>) dst(%arg13 : memref<125x80xi32, #tpu.memory_space<vmem>>)
    tpu.wait_dma2 semaphore(%arg17 : memref<!tpu.dma_semaphore, #tpu.memory_space<semaphore_mem>>) src(%arg7 : memref<80x8xf32, #tpu.memory_space<hbm>>) dst(%arg16 : memref<80x8xf32, #tpu.memory_space<vmem>>)
    %barrier3A = arith.constant 0 : index
    tpu.barrier barrier_id(%barrier3A)
    %dma_start3A_108 = arith.constant 0 : i32
    %dma_start3A_109 = arith.constant 0 : i32
    %dma_start3A_110 = tpu.memref_slice %arg12[%dma_start3A_108, %dma_start3A_109] : memref<125x80xi32, #tpu.memory_space<vmem>> -> memref<1x80xi32, #tpu.memory_space<vmem>>
    %dma_start3A_111 = tpu.memref_squeeze %dma_start3A_110 : memref<1x80xi32, #tpu.memory_space<vmem>> -> memref<80xi32, #tpu.memory_space<vmem>>
    %dma_start3A_112 = arith.constant 0 : i32
    %dma_start3A_113 = arith.constant 0 : i32
    %dma_start3A_114 = tpu.memref_slice %arg2[%dma_start3A_112, %dma_start3A_113] : memref<10000x128xf32, #tpu.memory_space<hbm>> -> memref<10000x128xf32, #tpu.memory_space<hbm>>
    tpu.enqueue_indirect_dma source(%dma_start3A_114 : memref<10000x128xf32, #tpu.memory_space<hbm>>) target(%arg14 : memref<80x128xf32, #tpu.memory_space<vmem>>) offsets(%dma_start3A_111 : memref<80xi32, #tpu.memory_space<vmem>>) semaphore(%arg17 : memref<!tpu.dma_semaphore, #tpu.memory_space<semaphore_mem>>)
    %scan3A = arith.constant 0 : i32
    %scan3A_115 = arith.constant 0 : i32
    %scan3A_116 = arith.constant 62 : i32
    %scan3A_117 = arith.addi %scan3A_115, %scan3A_116 : i32
    %scan3A_118 = arith.constant 1 : i32
    scf.for %scan3A_156 = %scan3A_115 to %scan3A_117 step %scan3A_118  : i32 {
      %mul3A_157 = arith.constant 2 : i32
      %mul3A_158 = arith.muli %mul3A_157, %scan3A_156 : i32
      %add3A_159 = arith.constant 1 : i32
      %add3A_160 = arith.addi %mul3A_158, %add3A_159 : i32
      %dma_start3A_161 = arith.constant 0 : i32
      %dma_start3A_162 = tpu.memref_slice %arg12[%add3A_160, %dma_start3A_161] : memref<125x80xi32, #tpu.memory_space<vmem>> -> memref<1x80xi32, #tpu.memory_space<vmem>>
      %dma_start3A_163 = tpu.memref_squeeze %dma_start3A_162 : memref<1x80xi32, #tpu.memory_space<vmem>> -> memref<80xi32, #tpu.memory_space<vmem>>
      %dma_start3A_164 = arith.constant 0 : i32
      %dma_start3A_165 = arith.constant 0 : i32
      %dma_start3A_166 = tpu.memref_slice %arg2[%dma_start3A_164, %dma_start3A_165] : memref<10000x128xf32, #tpu.memory_space<hbm>> -> memref<10000x128xf32, #tpu.memory_space<hbm>>
      tpu.enqueue_indirect_dma source(%dma_start3A_166 : memref<10000x128xf32, #tpu.memory_space<hbm>>) target(%arg15 : memref<80x128xf32, #tpu.memory_space<vmem>>) offsets(%dma_start3A_163 : memref<80xi32, #tpu.memory_space<vmem>>) semaphore(%arg18 : memref<!tpu.dma_semaphore, #tpu.memory_space<semaphore_mem>>)
      %dma_wait3A_167 = arith.constant 0 : i32
      %dma_wait3A_168 = tpu.memref_slice %arg12[%mul3A_158, %dma_wait3A_167] : memref<125x80xi32, #tpu.memory_space<vmem>> -> memref<1x80xi32, #tpu.memory_space<vmem>>
      %dma_wait3A_169 = tpu.memref_squeeze %dma_wait3A_168 : memref<1x80xi32, #tpu.memory_space<vmem>> -> memref<80xi32, #tpu.memory_space<vmem>>
      %dma_wait3A_170 = arith.constant 0 : i32
      %dma_wait3A_171 = arith.constant 0 : i32
      %dma_wait3A_172 = tpu.memref_slice %arg2[%dma_wait3A_170, %dma_wait3A_171] : memref<10000x128xf32, #tpu.memory_space<hbm>> -> memref<10000x128xf32, #tpu.memory_space<hbm>>
      tpu.wait_indirect_dma semaphore(%arg17 : memref<!tpu.dma_semaphore, #tpu.memory_space<semaphore_mem>>) src(%dma_wait3A_172 : memref<10000x128xf32, #tpu.memory_space<hbm>>) dst(%arg14 : memref<80x128xf32, #tpu.memory_space<vmem>>)
      "tpu.region"() ({
        %run_scoped3A_208 = tpu.sem_alloc : memref<!tpu.dma_semaphore, #tpu.memory_space<semaphore_mem>>
        %dma_start3A_209 = arith.constant 0 : i32
        %dma_start3A_210 = tpu.memref_slice %arg13[%mul3A_158, %dma_start3A_209] : memref<125x80xi32, #tpu.memory_space<vmem>> -> memref<1x80xi32, #tpu.memory_space<vmem>>
        %dma_start3A_211 = tpu.memref_squeeze %dma_start3A_210 : memref<1x80xi32, #tpu.memory_space<vmem>> -> memref<80xi32, #tpu.memory_space<vmem>>
        %dma_start3A_212 = arith.constant 0 : i32
        %dma_start3A_213 = arith.constant 0 : i32
        %dma_start3A_214 = tpu.memref_slice %arg10[%dma_start3A_212, %dma_start3A_213] : memref<10112x128xf32, #tpu.memory_space<vmem_shared>> -> memref<10112x128xf32, #tpu.memory_space<vmem_shared>>
        tpu.enqueue_indirect_dma source(%arg14 : memref<80x128xf32, #tpu.memory_space<vmem>>) target(%dma_start3A_214 : memref<10112x128xf32, #tpu.memory_space<vmem_shared>>) offsets(%dma_start3A_211 : memref<80xi32, #tpu.memory_space<vmem>>) semaphore(%run_scoped3A_208 : memref<!tpu.dma_semaphore, #tpu.memory_space<semaphore_mem>>) {add = true}
        %dma_wait3A_215 = arith.constant 0 : i32
        %dma_wait3A_216 = tpu.memref_slice %arg13[%mul3A_158, %dma_wait3A_215] : memref<125x80xi32, #tpu.memory_space<vmem>> -> memref<1x80xi32, #tpu.memory_space<vmem>>
        %dma_wait3A_217 = tpu.memref_squeeze %dma_wait3A_216 : memref<1x80xi32, #tpu.memory_space<vmem>> -> memref<80xi32, #tpu.memory_space<vmem>>
        %dma_wait3A_218 = arith.constant 0 : i32
        %dma_wait3A_219 = arith.constant 0 : i32
        %dma_wait3A_220 = tpu.memref_slice %arg10[%dma_wait3A_218, %dma_wait3A_219] : memref<10112x128xf32, #tpu.memory_space<vmem_shared>> -> memref<10112x128xf32, #tpu.memory_space<vmem_shared>>
        tpu.wait_indirect_dma semaphore(%run_scoped3A_208 : memref<!tpu.dma_semaphore, #tpu.memory_space<semaphore_mem>>) src(%arg14 : memref<80x128xf32, #tpu.memory_space<vmem>>) dst(%dma_wait3A_220 : memref<10112x128xf32, #tpu.memory_space<vmem_shared>>)
        tpu.yield
      }) : () -> ()
      %ge3A = arith.constant 2 : i32
      %ge3A_173 = arith.cmpi sge, %mul3A_158, %ge3A : i32
      %convert_element_type3A = arith.extui %ge3A_173 : i1 to i32
      %cond3A = arith.constant 0 : i32
      %cond3A_174 = arith.cmpi ne, %convert_element_type3A, %cond3A : i32
      scf.if %cond3A_174 {
        %dma_wait3A_208 = arith.constant 0 : i32
        %dma_wait3A_209 = tpu.memref_slice %arg13[%mul3A_158, %dma_wait3A_208] : memref<125x80xi32, #tpu.memory_space<vmem>> -> memref<1x80xi32, #tpu.memory_space<vmem>>
        %dma_wait3A_210 = tpu.memref_squeeze %dma_wait3A_209 : memref<1x80xi32, #tpu.memory_space<vmem>> -> memref<80xi32, #tpu.memory_space<vmem>>
        %dma_wait3A_211 = arith.constant 0 : i32
        %dma_wait3A_212 = arith.constant 0 : i32
        %dma_wait3A_213 = tpu.memref_slice %arg11[%dma_wait3A_211, %dma_wait3A_212] : memref<10112x8xf32, #tpu.memory_space<vmem_shared>> -> memref<10112x8xf32, #tpu.memory_space<vmem_shared>>
        tpu.wait_indirect_dma semaphore(%arg19 : memref<!tpu.dma_semaphore, #tpu.memory_space<semaphore_mem>>) src(%arg16 : memref<80x8xf32, #tpu.memory_space<vmem>>) dst(%dma_wait3A_213 : memref<10112x8xf32, #tpu.memory_space<vmem_shared>>)
      } else {
      }
      %dma_start3A_175 = arith.constant 0 : i32
      %dma_start3A_176 = tpu.memref_slice %arg13[%mul3A_158, %dma_start3A_175] : memref<125x80xi32, #tpu.memory_space<vmem>> -> memref<1x80xi32, #tpu.memory_space<vmem>>
      %dma_start3A_177 = tpu.memref_squeeze %dma_start3A_176 : memref<1x80xi32, #tpu.memory_space<vmem>> -> memref<80xi32, #tpu.memory_space<vmem>>
      %dma_start3A_178 = arith.constant 0 : i32
      %dma_start3A_179 = arith.constant 0 : i32
      %dma_start3A_180 = tpu.memref_slice %arg11[%dma_start3A_178, %dma_start3A_179] : memref<10112x8xf32, #tpu.memory_space<vmem_shared>> -> memref<10112x8xf32, #tpu.memory_space<vmem_shared>>
      tpu.enqueue_indirect_dma source(%arg16 : memref<80x8xf32, #tpu.memory_space<vmem>>) target(%dma_start3A_180 : memref<10112x8xf32, #tpu.memory_space<vmem_shared>>) offsets(%dma_start3A_177 : memref<80xi32, #tpu.memory_space<vmem>>) semaphore(%arg19 : memref<!tpu.dma_semaphore, #tpu.memory_space<semaphore_mem>>) {add = true}
      %add3A_181 = arith.constant 2 : i32
      %add3A_182 = arith.addi %mul3A_158, %add3A_181 : i32
      %dma_start3A_183 = arith.constant 0 : i32
      %dma_start3A_184 = tpu.memref_slice %arg12[%add3A_182, %dma_start3A_183] : memref<125x80xi32, #tpu.memory_space<vmem>> -> memref<1x80xi32, #tpu.memory_space<vmem>>
      %dma_start3A_185 = tpu.memref_squeeze %dma_start3A_184 : memref<1x80xi32, #tpu.memory_space<vmem>> -> memref<80xi32, #tpu.memory_space<vmem>>
      %dma_start3A_186 = arith.constant 0 : i32
      %dma_start3A_187 = arith.constant 0 : i32
      %dma_start3A_188 = tpu.memref_slice %arg2[%dma_start3A_186, %dma_start3A_187] : memref<10000x128xf32, #tpu.memory_space<hbm>> -> memref<10000x128xf32, #tpu.memory_space<hbm>>
      tpu.enqueue_indirect_dma source(%dma_start3A_188 : memref<10000x128xf32, #tpu.memory_space<hbm>>) target(%arg14 : memref<80x128xf32, #tpu.memory_space<vmem>>) offsets(%dma_start3A_185 : memref<80xi32, #tpu.memory_space<vmem>>) semaphore(%arg17 : memref<!tpu.dma_semaphore, #tpu.memory_space<semaphore_mem>>)
      %add3A_189 = arith.constant 1 : i32
      %add3A_190 = arith.addi %mul3A_158, %add3A_189 : i32
      %dma_wait3A_191 = arith.constant 0 : i32
      %dma_wait3A_192 = tpu.memref_slice %arg12[%add3A_190, %dma_wait3A_191] : memref<125x80xi32, #tpu.memory_space<vmem>> -> memref<1x80xi32, #tpu.memory_space<vmem>>
      %dma_wait3A_193 = tpu.memref_squeeze %dma_wait3A_192 : memref<1x80xi32, #tpu.memory_space<vmem>> -> memref<80xi32, #tpu.memory_space<vmem>>
      %dma_wait3A_194 = arith.constant 0 : i32
      %dma_wait3A_195 = arith.constant 0 : i32
      %dma_wait3A_196 = tpu.memref_slice %arg2[%dma_wait3A_194, %dma_wait3A_195] : memref<10000x128xf32, #tpu.memory_space<hbm>> -> memref<10000x128xf32, #tpu.memory_space<hbm>>
      tpu.wait_indirect_dma semaphore(%arg18 : memref<!tpu.dma_semaphore, #tpu.memory_space<semaphore_mem>>) src(%dma_wait3A_196 : memref<10000x128xf32, #tpu.memory_space<hbm>>) dst(%arg15 : memref<80x128xf32, #tpu.memory_space<vmem>>)
      "tpu.region"() ({
        %run_scoped3A_208 = tpu.sem_alloc : memref<!tpu.dma_semaphore, #tpu.memory_space<semaphore_mem>>
        %dma_start3A_209 = arith.constant 0 : i32
        %dma_start3A_210 = tpu.memref_slice %arg13[%add3A_190, %dma_start3A_209] : memref<125x80xi32, #tpu.memory_space<vmem>> -> memref<1x80xi32, #tpu.memory_space<vmem>>
        %dma_start3A_211 = tpu.memref_squeeze %dma_start3A_210 : memref<1x80xi32, #tpu.memory_space<vmem>> -> memref<80xi32, #tpu.memory_space<vmem>>
        %dma_start3A_212 = arith.constant 0 : i32
        %dma_start3A_213 = arith.constant 0 : i32
        %dma_start3A_214 = tpu.memref_slice %arg10[%dma_start3A_212, %dma_start3A_213] : memref<10112x128xf32, #tpu.memory_space<vmem_shared>> -> memref<10112x128xf32, #tpu.memory_space<vmem_shared>>
        tpu.enqueue_indirect_dma source(%arg15 : memref<80x128xf32, #tpu.memory_space<vmem>>) target(%dma_start3A_214 : memref<10112x128xf32, #tpu.memory_space<vmem_shared>>) offsets(%dma_start3A_211 : memref<80xi32, #tpu.memory_space<vmem>>) semaphore(%run_scoped3A_208 : memref<!tpu.dma_semaphore, #tpu.memory_space<semaphore_mem>>) {add = true}
        %dma_wait3A_215 = arith.constant 0 : i32
        %dma_wait3A_216 = tpu.memref_slice %arg13[%add3A_190, %dma_wait3A_215] : memref<125x80xi32, #tpu.memory_space<vmem>> -> memref<1x80xi32, #tpu.memory_space<vmem>>
        %dma_wait3A_217 = tpu.memref_squeeze %dma_wait3A_216 : memref<1x80xi32, #tpu.memory_space<vmem>> -> memref<80xi32, #tpu.memory_space<vmem>>
        %dma_wait3A_218 = arith.constant 0 : i32
        %dma_wait3A_219 = arith.constant 0 : i32
        %dma_wait3A_220 = tpu.memref_slice %arg10[%dma_wait3A_218, %dma_wait3A_219] : memref<10112x128xf32, #tpu.memory_space<vmem_shared>> -> memref<10112x128xf32, #tpu.memory_space<vmem_shared>>
        tpu.wait_indirect_dma semaphore(%run_scoped3A_208 : memref<!tpu.dma_semaphore, #tpu.memory_space<semaphore_mem>>) src(%arg15 : memref<80x128xf32, #tpu.memory_space<vmem>>) dst(%dma_wait3A_220 : memref<10112x128xf32, #tpu.memory_space<vmem_shared>>)
        tpu.yield
      }) : () -> ()
      %ge3A_197 = arith.constant 2 : i32
      %ge3A_198 = arith.cmpi sge, %add3A_190, %ge3A_197 : i32
      %convert_element_type3A_199 = arith.extui %ge3A_198 : i1 to i32
      %cond3A_200 = arith.constant 0 : i32
      %cond3A_201 = arith.cmpi ne, %convert_element_type3A_199, %cond3A_200 : i32
      scf.if %cond3A_201 {
        %dma_wait3A_208 = arith.constant 0 : i32
        %dma_wait3A_209 = tpu.memref_slice %arg13[%add3A_190, %dma_wait3A_208] : memref<125x80xi32, #tpu.memory_space<vmem>> -> memref<1x80xi32, #tpu.memory_space<vmem>>
        %dma_wait3A_210 = tpu.memref_squeeze %dma_wait3A_209 : memref<1x80xi32, #tpu.memory_space<vmem>> -> memref<80xi32, #tpu.memory_space<vmem>>
        %dma_wait3A_211 = arith.constant 0 : i32
        %dma_wait3A_212 = arith.constant 0 : i32
        %dma_wait3A_213 = tpu.memref_slice %arg11[%dma_wait3A_211, %dma_wait3A_212] : memref<10112x8xf32, #tpu.memory_space<vmem_shared>> -> memref<10112x8xf32, #tpu.memory_space<vmem_shared>>
        tpu.wait_indirect_dma semaphore(%arg20 : memref<!tpu.dma_semaphore, #tpu.memory_space<semaphore_mem>>) src(%arg16 : memref<80x8xf32, #tpu.memory_space<vmem>>) dst(%dma_wait3A_213 : memref<10112x8xf32, #tpu.memory_space<vmem_shared>>)
      } else {
      }
      %dma_start3A_202 = arith.constant 0 : i32
      %dma_start3A_203 = tpu.memref_slice %arg13[%add3A_190, %dma_start3A_202] : memref<125x80xi32, #tpu.memory_space<vmem>> -> memref<1x80xi32, #tpu.memory_space<vmem>>
      %dma_start3A_204 = tpu.memref_squeeze %dma_start3A_203 : memref<1x80xi32, #tpu.memory_space<vmem>> -> memref<80xi32, #tpu.memory_space<vmem>>
      %dma_start3A_205 = arith.constant 0 : i32
      %dma_start3A_206 = arith.constant 0 : i32
      %dma_start3A_207 = tpu.memref_slice %arg11[%dma_start3A_205, %dma_start3A_206] : memref<10112x8xf32, #tpu.memory_space<vmem_shared>> -> memref<10112x8xf32, #tpu.memory_space<vmem_shared>>
      tpu.enqueue_indirect_dma source(%arg16 : memref<80x8xf32, #tpu.memory_space<vmem>>) target(%dma_start3A_207 : memref<10112x8xf32, #tpu.memory_space<vmem_shared>>) offsets(%dma_start3A_204 : memref<80xi32, #tpu.memory_space<vmem>>) semaphore(%arg20 : memref<!tpu.dma_semaphore, #tpu.memory_space<semaphore_mem>>) {add = true}
    }
    %scan3A_119 = arith.constant 62 : i32
    %dma_wait3A_120 = arith.constant 124 : i32
    %dma_wait3A_121 = arith.constant 0 : i32
    %dma_wait3A_122 = tpu.memref_slice %arg12[%dma_wait3A_120, %dma_wait3A_121] : memref<125x80xi32, #tpu.memory_space<vmem>> -> memref<1x80xi32, #tpu.memory_space<vmem>>
    %dma_wait3A_123 = tpu.memref_squeeze %dma_wait3A_122 : memref<1x80xi32, #tpu.memory_space<vmem>> -> memref<80xi32, #tpu.memory_space<vmem>>
    %dma_wait3A_124 = arith.constant 0 : i32
    %dma_wait3A_125 = arith.constant 0 : i32
    %dma_wait3A_126 = tpu.memref_slice %arg2[%dma_wait3A_124, %dma_wait3A_125] : memref<10000x128xf32, #tpu.memory_space<hbm>> -> memref<10000x128xf32, #tpu.memory_space<hbm>>
    tpu.wait_indirect_dma semaphore(%arg17 : memref<!tpu.dma_semaphore, #tpu.memory_space<semaphore_mem>>) src(%dma_wait3A_126 : memref<10000x128xf32, #tpu.memory_space<hbm>>) dst(%arg14 : memref<80x128xf32, #tpu.memory_space<vmem>>)
    %run_scoped3A = arith.constant 124 : i32
    "tpu.region"() ({
      %run_scoped3A_156 = tpu.sem_alloc : memref<!tpu.dma_semaphore, #tpu.memory_space<semaphore_mem>>
      %dma_start3A_157 = arith.constant 0 : i32
      %dma_start3A_158 = tpu.memref_slice %arg13[%run_scoped3A, %dma_start3A_157] : memref<125x80xi32, #tpu.memory_space<vmem>> -> memref<1x80xi32, #tpu.memory_space<vmem>>
      %dma_start3A_159 = tpu.memref_squeeze %dma_start3A_158 : memref<1x80xi32, #tpu.memory_space<vmem>> -> memref<80xi32, #tpu.memory_space<vmem>>
      %dma_start3A_160 = arith.constant 0 : i32
      %dma_start3A_161 = arith.constant 0 : i32
      %dma_start3A_162 = tpu.memref_slice %arg10[%dma_start3A_160, %dma_start3A_161] : memref<10112x128xf32, #tpu.memory_space<vmem_shared>> -> memref<10112x128xf32, #tpu.memory_space<vmem_shared>>
      tpu.enqueue_indirect_dma source(%arg14 : memref<80x128xf32, #tpu.memory_space<vmem>>) target(%dma_start3A_162 : memref<10112x128xf32, #tpu.memory_space<vmem_shared>>) offsets(%dma_start3A_159 : memref<80xi32, #tpu.memory_space<vmem>>) semaphore(%run_scoped3A_156 : memref<!tpu.dma_semaphore, #tpu.memory_space<semaphore_mem>>) {add = true}
      %dma_wait3A_163 = arith.constant 0 : i32
      %dma_wait3A_164 = tpu.memref_slice %arg13[%run_scoped3A, %dma_wait3A_163] : memref<125x80xi32, #tpu.memory_space<vmem>> -> memref<1x80xi32, #tpu.memory_space<vmem>>
      %dma_wait3A_165 = tpu.memref_squeeze %dma_wait3A_164 : memref<1x80xi32, #tpu.memory_space<vmem>> -> memref<80xi32, #tpu.memory_space<vmem>>
      %dma_wait3A_166 = arith.constant 0 : i32
      %dma_wait3A_167 = arith.constant 0 : i32
      %dma_wait3A_168 = tpu.memref_slice %arg10[%dma_wait3A_166, %dma_wait3A_167] : memref<10112x128xf32, #tpu.memory_space<vmem_shared>> -> memref<10112x128xf32, #tpu.memory_space<vmem_shared>>
      tpu.wait_indirect_dma semaphore(%run_scoped3A_156 : memref<!tpu.dma_semaphore, #tpu.memory_space<semaphore_mem>>) src(%arg14 : memref<80x128xf32, #tpu.memory_space<vmem>>) dst(%dma_wait3A_168 : memref<10112x128xf32, #tpu.memory_space<vmem_shared>>)
      tpu.yield
    }) : () -> ()
    %dma_wait3A_127 = arith.constant 124 : i32
    %dma_wait3A_128 = arith.constant 0 : i32
    %dma_wait3A_129 = tpu.memref_slice %arg13[%dma_wait3A_127, %dma_wait3A_128] : memref<125x80xi32, #tpu.memory_space<vmem>> -> memref<1x80xi32, #tpu.memory_space<vmem>>
    %dma_wait3A_130 = tpu.memref_squeeze %dma_wait3A_129 : memref<1x80xi32, #tpu.memory_space<vmem>> -> memref<80xi32, #tpu.memory_space<vmem>>
    %dma_wait3A_131 = arith.constant 0 : i32
    %dma_wait3A_132 = arith.constant 0 : i32
    %dma_wait3A_133 = tpu.memref_slice %arg11[%dma_wait3A_131, %dma_wait3A_132] : memref<10112x8xf32, #tpu.memory_space<vmem_shared>> -> memref<10112x8xf32, #tpu.memory_space<vmem_shared>>
    tpu.wait_indirect_dma semaphore(%arg19 : memref<!tpu.dma_semaphore, #tpu.memory_space<semaphore_mem>>) src(%arg16 : memref<80x8xf32, #tpu.memory_space<vmem>>) dst(%dma_wait3A_133 : memref<10112x8xf32, #tpu.memory_space<vmem_shared>>)
    %dma_start3A_134 = arith.constant 124 : i32
    %dma_start3A_135 = arith.constant 0 : i32
    %dma_start3A_136 = tpu.memref_slice %arg13[%dma_start3A_134, %dma_start3A_135] : memref<125x80xi32, #tpu.memory_space<vmem>> -> memref<1x80xi32, #tpu.memory_space<vmem>>
    %dma_start3A_137 = tpu.memref_squeeze %dma_start3A_136 : memref<1x80xi32, #tpu.memory_space<vmem>> -> memref<80xi32, #tpu.memory_space<vmem>>
    %dma_start3A_138 = arith.constant 0 : i32
    %dma_start3A_139 = arith.constant 0 : i32
    %dma_start3A_140 = tpu.memref_slice %arg11[%dma_start3A_138, %dma_start3A_139] : memref<10112x8xf32, #tpu.memory_space<vmem_shared>> -> memref<10112x8xf32, #tpu.memory_space<vmem_shared>>
    tpu.enqueue_indirect_dma source(%arg16 : memref<80x8xf32, #tpu.memory_space<vmem>>) target(%dma_start3A_140 : memref<10112x8xf32, #tpu.memory_space<vmem_shared>>) offsets(%dma_start3A_137 : memref<80xi32, #tpu.memory_space<vmem>>) semaphore(%arg19 : memref<!tpu.dma_semaphore, #tpu.memory_space<semaphore_mem>>) {add = true}
    %dma_wait3A_141 = arith.constant 0 : i32
    %dma_wait3A_142 = arith.constant 0 : i32
    %dma_wait3A_143 = tpu.memref_slice %arg13[%dma_wait3A_141, %dma_wait3A_142] : memref<125x80xi32, #tpu.memory_space<vmem>> -> memref<1x80xi32, #tpu.memory_space<vmem>>
    %dma_wait3A_144 = tpu.memref_squeeze %dma_wait3A_143 : memref<1x80xi32, #tpu.memory_space<vmem>> -> memref<80xi32, #tpu.memory_space<vmem>>
    %dma_wait3A_145 = arith.constant 0 : i32
    %dma_wait3A_146 = arith.constant 0 : i32
    %dma_wait3A_147 = tpu.memref_slice %arg11[%dma_wait3A_145, %dma_wait3A_146] : memref<10112x8xf32, #tpu.memory_space<vmem_shared>> -> memref<10112x8xf32, #tpu.memory_space<vmem_shared>>
    tpu.wait_indirect_dma semaphore(%arg20 : memref<!tpu.dma_semaphore, #tpu.memory_space<semaphore_mem>>) src(%arg16 : memref<80x8xf32, #tpu.memory_space<vmem>>) dst(%dma_wait3A_147 : memref<10112x8xf32, #tpu.memory_space<vmem_shared>>)
    %dma_wait3A_148 = arith.constant 0 : i32
    %dma_wait3A_149 = arith.constant 0 : i32
    %dma_wait3A_150 = tpu.memref_slice %arg13[%dma_wait3A_148, %dma_wait3A_149] : memref<125x80xi32, #tpu.memory_space<vmem>> -> memref<1x80xi32, #tpu.memory_space<vmem>>
    %dma_wait3A_151 = tpu.memref_squeeze %dma_wait3A_150 : memref<1x80xi32, #tpu.memory_space<vmem>> -> memref<80xi32, #tpu.memory_space<vmem>>
    %dma_wait3A_152 = arith.constant 0 : i32
    %dma_wait3A_153 = arith.constant 0 : i32
    %dma_wait3A_154 = tpu.memref_slice %arg11[%dma_wait3A_152, %dma_wait3A_153] : memref<10112x8xf32, #tpu.memory_space<vmem_shared>> -> memref<10112x8xf32, #tpu.memory_space<vmem_shared>>
    tpu.wait_indirect_dma semaphore(%arg19 : memref<!tpu.dma_semaphore, #tpu.memory_space<semaphore_mem>>) src(%arg16 : memref<80x8xf32, #tpu.memory_space<vmem>>) dst(%dma_wait3A_154 : memref<10112x8xf32, #tpu.memory_space<vmem_shared>>)
    %barrier3A_155 = arith.constant 0 : index
    tpu.barrier barrier_id(%barrier3A_155)
    "tpu.region"() ({
      %run_scoped3A_156 = tpu.sem_alloc : memref<!tpu.dma_semaphore, #tpu.memory_space<semaphore_mem>>
      %dma_start3A_157 = arith.constant 0 : i32
      %dma_start3A_158 = tpu.memref_slice %arg8[%arg0, %mul3A_2, %dma_start3A_157] : memref<2x10112x128xf32, #tpu.memory_space<hbm>> -> memref<1x632x128xf32, #tpu.memory_space<hbm>>
      %dma_start3A_159 = tpu.memref_squeeze %dma_start3A_158 : memref<1x632x128xf32, #tpu.memory_space<hbm>> -> memref<632x128xf32, #tpu.memory_space<hbm>>
      %dma_start3A_160 = arith.constant 0 : i32
      %dma_start3A_161 = tpu.memref_slice %arg10[%mul3A_2, %dma_start3A_160] : memref<10112x128xf32, #tpu.memory_space<vmem_shared>> -> memref<632x128xf32, #tpu.memory_space<vmem_shared>>
      tpu.enqueue_dma source(%dma_start3A_161 : memref<632x128xf32, #tpu.memory_space<vmem_shared>>) target(%dma_start3A_159 : memref<632x128xf32, #tpu.memory_space<hbm>>) target_semaphore(%run_scoped3A_156 : memref<!tpu.dma_semaphore, #tpu.memory_space<semaphore_mem>>)
      %dma_wait3A_162 = arith.constant 0 : i32
      %dma_wait3A_163 = tpu.memref_slice %arg8[%arg0, %mul3A_2, %dma_wait3A_162] : memref<2x10112x128xf32, #tpu.memory_space<hbm>> -> memref<1x632x128xf32, #tpu.memory_space<hbm>>
      %dma_wait3A_164 = tpu.memref_squeeze %dma_wait3A_163 : memref<1x632x128xf32, #tpu.memory_space<hbm>> -> memref<632x128xf32, #tpu.memory_space<hbm>>
      %dma_wait3A_165 = arith.constant 0 : i32
      %dma_wait3A_166 = tpu.memref_slice %arg10[%mul3A_2, %dma_wait3A_165] : memref<10112x128xf32, #tpu.memory_space<vmem_shared>> -> memref<632x128xf32, #tpu.memory_space<vmem_shared>>
      tpu.wait_dma2 semaphore(%run_scoped3A_156 : memref<!tpu.dma_semaphore, #tpu.memory_space<semaphore_mem>>) src(%dma_wait3A_166 : memref<632x128xf32, #tpu.memory_space<vmem_shared>>) dst(%dma_wait3A_164 : memref<632x128xf32, #tpu.memory_space<hbm>>)
      tpu.yield
    }) : () -> ()
    "tpu.region"() ({
      %run_scoped3A_156 = tpu.sem_alloc : memref<!tpu.dma_semaphore, #tpu.memory_space<semaphore_mem>>
      %dma_start3A_157 = arith.constant 0 : i32
      %dma_start3A_158 = tpu.memref_slice %arg9[%arg0, %mul3A_2, %dma_start3A_157] : memref<2x10112x8xf32, #tpu.memory_space<hbm>> -> memref<1x632x8xf32, #tpu.memory_space<hbm>>
      %dma_start3A_159 = tpu.memref_squeeze %dma_start3A_158 : memref<1x632x8xf32, #tpu.memory_space<hbm>> -> memref<632x8xf32, #tpu.memory_space<hbm>>
      %dma_start3A_160 = arith.constant 0 : i32
      %dma_start3A_161 = tpu.memref_slice %arg11[%mul3A_2, %dma_start3A_160] : memref<10112x8xf32, #tpu.memory_space<vmem_shared>> -> memref<632x8xf32, #tpu.memory_space<vmem_shared>>
      tpu.enqueue_dma source(%dma_start3A_161 : memref<632x8xf32, #tpu.memory_space<vmem_shared>>) target(%dma_start3A_159 : memref<632x8xf32, #tpu.memory_space<hbm>>) target_semaphore(%run_scoped3A_156 : memref<!tpu.dma_semaphore, #tpu.memory_space<semaphore_mem>>)
      %dma_wait3A_162 = arith.constant 0 : i32
      %dma_wait3A_163 = tpu.memref_slice %arg9[%arg0, %mul3A_2, %dma_wait3A_162] : memref<2x10112x8xf32, #tpu.memory_space<hbm>> -> memref<1x632x8xf32, #tpu.memory_space<hbm>>
      %dma_wait3A_164 = tpu.memref_squeeze %dma_wait3A_163 : memref<1x632x8xf32, #tpu.memory_space<hbm>> -> memref<632x8xf32, #tpu.memory_space<hbm>>
      %dma_wait3A_165 = arith.constant 0 : i32
      %dma_wait3A_166 = tpu.memref_slice %arg11[%mul3A_2, %dma_wait3A_165] : memref<10112x8xf32, #tpu.memory_space<vmem_shared>> -> memref<632x8xf32, #tpu.memory_space<vmem_shared>>
      tpu.wait_dma2 semaphore(%run_scoped3A_156 : memref<!tpu.dma_semaphore, #tpu.memory_space<semaphore_mem>>) src(%dma_wait3A_166 : memref<632x8xf32, #tpu.memory_space<vmem_shared>>) dst(%dma_wait3A_164 : memref<632x8xf32, #tpu.memory_space<hbm>>)
      tpu.yield
    }) : () -> ()
    return
  }
}

module attributes {stable_mosaic.version = 14 : i64} {
  func.func @_tc_body(%arg0: i32, %arg1: memref<2x1000x128xf32, #tpu.memory_space<vmem>>, %arg2: memref<2x1000x8xf32, #tpu.memory_space<vmem>>, %arg3: memref<1000x128xf32, #tpu.memory_space<vmem>>, %arg4: memref<128x128xf32, #tpu.memory_space<vmem>>, %arg5: memref<128x128xf32, #tpu.memory_space<vmem>>, %arg6: memref<1x128xf32, #tpu.memory_space<vmem>>, %arg7: memref<1000x128xf32, #tpu.memory_space<vmem>>) attributes {dimension_semantics = [#tpu.dimension_semantics<arbitrary>], iteration_bounds = array<i64: 10>, scalar_prefetch = 0 : i64, scratch_operands = 0 : i64, tpu.core_type = #tpu.core_type<tc>, window_params = [{transform_indices = @transform_0, window_bounds = array<i64: 2, 1000, 128>}, {transform_indices = @transform_1, window_bounds = array<i64: 2, 1000, 8>}, {transform_indices = @transform_2, window_bounds = array<i64: 1000, 128>}, {pipeline_mode = #tpu.pipeline_mode<synchronous>, transform_indices = @transform_3, window_bounds = array<i64: 128, 128>}, {pipeline_mode = #tpu.pipeline_mode<synchronous>, transform_indices = @transform_4, window_bounds = array<i64: 128, 128>}, {pipeline_mode = #tpu.pipeline_mode<synchronous>, transform_indices = @transform_5, window_bounds = array<i64: 1, 128>}, {transform_indices = @transform_6, window_bounds = array<i64: 1000, 128>}]} {
    %get3A = arith.constant 0 : index
    %get3A_0 = arith.constant 0 : index
    %get3A_1 = arith.constant 0 : index
    %get3A_2 = vector.load %arg1[%get3A, %get3A_0, %get3A_1] : memref<2x1000x128xf32, #tpu.memory_space<vmem>>, vector<1x1000x128xf32>
    %get3A_3 = vector.shape_cast %get3A_2 : vector<1x1000x128xf32> to vector<1000x128xf32>
    %get3A_4 = arith.constant 1 : index
    %get3A_5 = arith.constant 0 : index
    %get3A_6 = arith.constant 0 : index
    %get3A_7 = vector.load %arg1[%get3A_4, %get3A_5, %get3A_6] : memref<2x1000x128xf32, #tpu.memory_space<vmem>>, vector<1x1000x128xf32>
    %get3A_8 = vector.shape_cast %get3A_7 : vector<1x1000x128xf32> to vector<1000x128xf32>
    %add3A = arith.addf %get3A_3, %get3A_8 : vector<1000x128xf32>
    %get3A_9 = arith.constant 0 : index
    %get3A_10 = arith.constant 0 : index
    %get3A_11 = arith.constant 0 : index
    %get3A_12 = vector.load %arg2[%get3A_9, %get3A_10, %get3A_11] : memref<2x1000x8xf32, #tpu.memory_space<vmem>>, vector<1x1000x1xf32>
    %get3A_13 = vector.shape_cast %get3A_12 : vector<1x1000x1xf32> to vector<1000x1xf32>
    %get3A_14 = arith.constant 1 : index
    %get3A_15 = arith.constant 0 : index
    %get3A_16 = arith.constant 0 : index
    %get3A_17 = vector.load %arg2[%get3A_14, %get3A_15, %get3A_16] : memref<2x1000x8xf32, #tpu.memory_space<vmem>>, vector<1x1000x1xf32>
    %get3A_18 = vector.shape_cast %get3A_17 : vector<1x1000x1xf32> to vector<1000x1xf32>
    %add3A_19 = arith.addf %get3A_13, %get3A_18 : vector<1000x1xf32>
    %max3A = arith.constant 1.000000e+00 : f32
    %max3A_20 = vector.broadcast %max3A : f32 to vector<1000x1xf32>
    %max3A_21 = arith.maximumf %add3A_19, %max3A_20 : vector<1000x1xf32>
    %div3A = vector.broadcast %max3A_21 : vector<1000x1xf32> to vector<1000x128xf32>
    %div3A_22 = arith.divf %add3A, %div3A : vector<1000x128xf32>
    %get3A_23 = arith.constant 0 : index
    %get3A_24 = arith.constant 0 : index
    %get3A_25 = vector.load %arg4[%get3A_23, %get3A_24] : memref<128x128xf32, #tpu.memory_space<vmem>>, vector<128x128xf32>
    %dot_general3A = arith.constant dense<0.000000e+00> : vector<1000x128xf32>
    %dot_general3A_26 = tpu.matmul %div3A_22, %get3A_25, %dot_general3A {dimension_numbers = #tpu.dot_dimension_numbers<[1], [0], [0], [1], [0, 0, 1, 1], [], []>, transpose_lhs_hint = false} : vector<1000x128xf32>, vector<128x128xf32>, vector<1000x128xf32> -> vector<1000x128xf32>
    %get3A_27 = arith.constant 0 : index
    %get3A_28 = arith.constant 0 : index
    %get3A_29 = vector.load %arg3[%get3A_27, %get3A_28] : memref<1000x128xf32, #tpu.memory_space<vmem>>, vector<1000x128xf32>
    %get3A_30 = arith.constant 0 : index
    %get3A_31 = arith.constant 0 : index
    %get3A_32 = vector.load %arg5[%get3A_30, %get3A_31] : memref<128x128xf32, #tpu.memory_space<vmem>>, vector<128x128xf32>
    %dot_general3A_33 = arith.constant dense<0.000000e+00> : vector<1000x128xf32>
    %dot_general3A_34 = tpu.matmul %get3A_29, %get3A_32, %dot_general3A_33 {dimension_numbers = #tpu.dot_dimension_numbers<[1], [0], [0], [1], [0, 0, 1, 1], [], []>, transpose_lhs_hint = false} : vector<1000x128xf32>, vector<128x128xf32>, vector<1000x128xf32> -> vector<1000x128xf32>
    %add3A_35 = arith.addf %dot_general3A_26, %dot_general3A_34 : vector<1000x128xf32>
    %get3A_36 = arith.constant 0 : index
    %get3A_37 = arith.constant 0 : index
    %get3A_38 = vector.load %arg6[%get3A_36, %get3A_37] : memref<1x128xf32, #tpu.memory_space<vmem>>, vector<1x128xf32>
    %add3A_39 = vector.broadcast %get3A_38 : vector<1x128xf32> to vector<1000x128xf32>
    %add3A_40 = arith.addf %add3A_35, %add3A_39 : vector<1000x128xf32>
    %swap3A = arith.constant 0 : index
    %swap3A_41 = arith.constant 0 : index
    %swap3A_42 = vector.load %arg7[%swap3A, %swap3A_41] : memref<1000x128xf32, #tpu.memory_space<vmem>>, vector<1000x128xf32>
    tpu.vector_store %arg7[%swap3A, %swap3A_41], %add3A_40 {strides = array<i32>} : memref<1000x128xf32, #tpu.memory_space<vmem>>, vector<1000x128xf32>,
    return
  }
  func.func @transform_0(%arg0: i32) -> (i32, i32, i32) {
    %c0_i32 = arith.constant 0 : i32
    %c0_i32_0 = arith.constant 0 : i32
    %c0_i32_1 = arith.constant 0 : i32
    return %c0_i32, %arg0, %c0_i32_0 : i32, i32, i32
  }
  func.func @transform_1(%arg0: i32) -> (i32, i32, i32) {
    %c0_i32 = arith.constant 0 : i32
    %c0_i32_0 = arith.constant 0 : i32
    %c0_i32_1 = arith.constant 0 : i32
    return %c0_i32, %arg0, %c0_i32_0 : i32, i32, i32
  }
  func.func @transform_2(%arg0: i32) -> (i32, i32) {
    %c0_i32 = arith.constant 0 : i32
    %c0_i32_0 = arith.constant 0 : i32
    return %arg0, %c0_i32 : i32, i32
  }
  func.func @transform_3(%arg0: i32) -> (i32, i32) {
    %c0_i32 = arith.constant 0 : i32
    %c0_i32_0 = arith.constant 0 : i32
    %c0_i32_1 = arith.constant 0 : i32
    return %c0_i32, %c0_i32_0 : i32, i32
  }
  func.func @transform_4(%arg0: i32) -> (i32, i32) {
    %c0_i32 = arith.constant 0 : i32
    %c0_i32_0 = arith.constant 0 : i32
    %c0_i32_1 = arith.constant 0 : i32
    return %c0_i32, %c0_i32_0 : i32, i32
  }
  func.func @transform_5(%arg0: i32) -> (i32, i32) {
    %c0_i32 = arith.constant 0 : i32
    %c0_i32_0 = arith.constant 0 : i32
    %c0_i32_1 = arith.constant 0 : i32
    return %c0_i32, %c0_i32_0 : i32, i32
  }
  func.func @transform_6(%arg0: i32) -> (i32, i32) {
    %c0_i32 = arith.constant 0 : i32
    %c0_i32_0 = arith.constant 0 : i32
    return %arg0, %c0_i32 : i32, i32
  }
}

</mosaic_0001>

<sc_bundles>
// kernel: kernel.4.cloned.1.call-start
scs
__scs_entry_jumppad:
0x0: {  	(pc) =	sbr.rel $0x88, $3  }
0x1: {  	(tag) =	ssettag $0x0;
	lr =	simm.s32 $0x1  }
0x2: {  	[smem:$0x3F9C] =	sst lr;
	_ =	strace $0xD0000000  }
0x3: {  	_ = 	snop  }
0x4: {  	_ = 	snop  }
0x5: {  	_ = 	snop  }
0x6: {  	_ = 	snop  }
0x7: {  	_ = 	snop  }
__scs_overlays_trampoline_lowered:
0x8: {  	[smem:$0x3FAB] =	sst s0  }
0x9: {  	[smem:$0x3FAC] =	sst s1  }
0xa: {  	[smem:$0x3FAD] =	sst s2  }
0xb: {  	[smem:$0x3FAE] =	sst s3  }
0xc: {  	[smem:$0x3FAF] =	sst s4  }
0xd: {  	[smem:$0x3FB0] =	sst s5  }
0xe: {  	[smem:$0x3FB1] =	sst s6  }
0xf: {  	[smem:$0x3FB2] =	sst s7  }
0x10: {  	[smem:$0x3FB3] =	sst s8  }
0x11: {  	[smem:$0x3FB4] =	sst s9;
	s0 =	simm.s32 @!p0 $0x0  }
0x12: {  	s1 =	sld [smem:$0x3F9A];
	s0 =	simm.s32 @p0 $0x1  }
0x13: {  	[smem:$0x3FB5] =	sst s0;
	s0 =	simm.s32 @!p1 $0x0  }
0x14: {  	s2 =	sld [smem:$0x3F99];
	s0 =	simm.s32 @p1 $0x1  }
0x15: {  	[smem:$0x3FB6] =	sst s0;
	s0 =	simm.s32 @!p2 $0x0  }
0x16: {  	s3 =	sld [smem:$0x3FDB];
	s0 =	simm.s32 @p2 $0x1  }
0x17: {  	s4 =	simm.s32 $0x1BF5;
	[smem:$0x3FB8] =	sst s0  }
0x18: {  	s0 =	sld [smem:$0x3F9B];
	_ =	swait.ge [sflag:s4], $0x0  }
0x19: {  	s7 =	sld [smem:$0x3F9C]  }
0x1a: {  	s8 =	sadd.s32 $0xFFFFE003, lr  }
0x1b: {  	s9 =	sadd.s32 $0xFFFFFEF7, lr;
	s5 =	simm.s32 $0xFFFFFFFF;
	p2 =	slt.u32 s8, $0xFFFFF086  }
0x1c: {  	p1 =	slt.u32 s9, $0xF7A;
	s5 =	simm.s32 @!p2 $0x0  }
0x1d: {  	s5 =	simm.s32 @p1 $0x1;
	p0 =	seq.s32 s7, s2  }
0x1e: {  	s7 =	smul.u32 @!p0 $0xF7A, s2;
	p2 =	seq.s32 @!p0 s5, $0x0  }
0x1f: {  	s9 =	smul.u32 $0xF7A, s1;
	s8 =	simm.s32 @!p0 $0x1BF5;
	p2 =	por !p2, p0  }
0x20: {  	[sflag:s8] =	ssyncset.s32 @!p0 $0xFFFFF086;
	s6 =	sadd.s32 @!p0 s3, s7;
	s7 =	simm.s32 @!p0 $0x108  }
0x21: {  	s3 =	sadd.s32 s3, s9;
	s6 =	sadd.s32 @!p0 $0x88, s6;
	s7 =	simm.s32 @p2 $0x1082  }
0x22: {  	[simem:s7], [sflag:s8] =	dma.local @!p0 [hbm:s6], $0xF7A  }
0x23: {  	s9 =	sor.u32 $0xD0000000, s2;
	s6 =	simm.s32 $0x108;
	_ =	swait.ge @!p0 [sflag:s8], $0x0  }
0x24: {  	s3 =	sadd.s32 $0x88, s3;
	s6 =	simm.s32 @!p1 $0x1082;
	[sflag:s4] =	ssyncset.s32 $0xFFFFF086  }
0x25: {  	[simem:s6], [sflag:s4] =	dma.local [hbm:s3], $0xF7A  }
0x26: {  	[smem:$0x3F9C] =	sst s1;
	(tag) =	ssettag s2;
	_ =	strace s9  }
0x27: {  	s1 =	sld [smem:$0x3FAC]  }
0x28: {  	s2 =	sld [smem:$0x3FAD]  }
0x29: {  	s4 =	sld [smem:$0x3FAF]  }
0x2a: {  	p0 =	seq.s32 s5, $0x0;
	s5 =	sld [smem:$0x3FB0]  }
0x2b: {  	s6 =	sld [smem:$0x3FB1]  }
0x2c: {  	s7 =	sld [smem:$0x3FB2]  }
0x2d: {  	s3 =	simm.s32 $0x108;
	s8 =	sld [smem:$0x3FB3]  }
0x2e: {  	s3 =	simm.s32 @!p0 $0x1082;
	s9 =	sld [smem:$0x3FB4]  }
0x2f: {  	lr =	sadd.s32 s0, s3;
	s0 =	sld [smem:$0x3FAB]  }
0x30: {  	s3 =	sld [smem:$0x3FAE]  }
0x31: {  	[smem:$0x3FB7] =	sst s10  }
0x32: {  	s10 =	sld [smem:$0x3FB5];
	_ =	sdelay $0x3  }
0x33: {  	p0 =	seq.s32 s10, $0x1;
	s10 =	sld [smem:$0x3FB7];
	_ =	sdelay $0x3  }
0x34: {  	[smem:$0x3FB7] =	sst s10  }
0x35: {  	s10 =	sld [smem:$0x3FB6];
	_ =	sdelay $0x3  }
0x36: {  	p1 =	seq.s32 s10, $0x1;
	s10 =	sld [smem:$0x3FB7];
	_ =	sdelay $0x3  }
0x37: {  	[smem:$0x3FB7] =	sst s10  }
0x38: {  	s10 =	sld [smem:$0x3FB8]  }
0x39: {  	_ = 	snop;
	(pc) =	sbr.ind lr, $3  }
0x3a: {  	_ = 	snop  }
0x3b: {  	_ = 	snop  }
0x3c: {  	p2 =	seq.s32 s10, $0x1;
	s10 =	sld [smem:$0x3FB7]  }
0x3d: {  	_ =	shalt  }
0x3e: {  	_ =	shalt  }
0x3f: {  	_ =	shalt  }
0x40: {  	_ =	shalt  }
0x41: {  	_ =	shalt  }
0x42: {  	_ =	shalt  }
0x43: {  	_ =	shalt  }
0x44: {  	_ =	shalt  }
0x45: {  	_ =	shalt  }
0x46: {  	_ =	shalt  }
0x47: {  	_ =	shalt  }
0x48: {  	_ =	shalt  }
0x49: {  	_ =	shalt  }
0x4a: {  	_ =	shalt  }
0x4b: {  	_ =	shalt  }
0x4c: {  	_ =	shalt  }
0x4d: {  	_ =	shalt  }
0x4e: {  	_ =	shalt  }
0x4f: {  	_ =	shalt  }
0x50: {  	_ =	shalt  }
0x51: {  	_ =	shalt  }
0x52: {  	_ =	shalt  }
0x53: {  	_ =	shalt  }
0x54: {  	_ =	shalt  }
0x55: {  	_ =	shalt  }
0x56: {  	_ =	shalt  }
0x57: {  	_ =	shalt  }
0x58: {  	_ =	shalt  }
0x59: {  	_ =	shalt  }
0x5a: {  	_ =	shalt  }
0x5b: {  	_ =	shalt  }
0x5c: {  	_ =	shalt  }
0x5d: {  	_ =	shalt  }
0x5e: {  	_ =	shalt  }
0x5f: {  	_ =	shalt  }
0x60: {  	_ =	shalt  }
0x61: {  	_ =	shalt  }
0x62: {  	_ =	shalt  }
0x63: {  	_ =	shalt  }
0x64: {  	_ =	shalt  }
0x65: {  	_ =	shalt  }
0x66: {  	_ =	shalt  }
0x67: {  	_ =	shalt  }
0x68: {  	_ =	shalt  }
0x69: {  	_ =	shalt  }
0x6a: {  	_ =	shalt  }
0x6b: {  	_ =	shalt  }
0x6c: {  	_ =	shalt  }
0x6d: {  	_ =	shalt  }
0x6e: {  	_ =	shalt  }
0x6f: {  	_ =	shalt  }
0x70: {  	_ =	shalt  }
0x71: {  	_ =	shalt  }
0x72: {  	_ =	shalt  }
0x73: {  	_ =	shalt  }
0x74: {  	_ =	shalt  }
0x75: {  	_ =	shalt  }
0x76: {  	_ =	shalt  }
0x77: {  	_ =	shalt  }
0x78: {  	_ =	shalt  }
0x79: {  	_ =	shalt  }
0x7a: {  	_ =	shalt  }
0x7b: {  	_ =	shalt  }
0x7c: {  	_ =	shalt  }
0x7d: {  	_ =	shalt  }
0x7e: {  	_ =	shalt  }
0x7f: {  	_ =	shalt  }
0x80: {  	_ =	shalt  }
0x81: {  	_ =	shalt  }
0x82: {  	_ =	shalt  }
0x83: {  	_ =	shalt  }
0x84: {  	_ =	shalt  }
0x85: {  	_ =	shalt  }
0x86: {  	_ =	shalt  }
0x87: {  	_ =	shalt  }
.Lfunc_end0:
.L_simem_size_0:
called_computation_lowered:
.L_overlay_start_0:
0x88: {  	s2 =	sld [smem:$0x3FD9]  }
0x89: {  	s3 =	sld [smem:$0x3FFE];
	_ =	sdelay $0x1  }
0x8a: {  	s1 =	srdreg.scid  }
0x8b: {  	s0 =	sand.u32 $0x1, s1  }
0x8c: {  	s17 =	sshll.u32 s0, $0xA;
	s2 =	sadd.s32 s3, s2  }
0x8d: {  	s2 =	sadd.s32 s2, s17  }
0x8e: {  	[smem:$0x3FC3] =	sst s2  }
0x8f: {  	_ = 	snop  }
0x90: {  	s2 =	sld [smem:$0x3FC9]  }
0x91: {  	s18 =	sld [smem:$0x3FD0];
	(tm) =	ssettm $0x1  }
0x92: {  	s4 =	sld [smem:$0x3FFB];
	_ =	sdelay $0x3  }
0x93: {  	_ =	strace s4  }
0x94: {  	s4 =	sld [smem:$0x3FFC];
	_ =	sdelay $0x3  }
0x95: {  	_ =	strace s4  }
0x96: {  	s4 =	sld [smem:$0x3FFD];
	_ =	sdelay $0x3  }
0x97: {  	_ =	strace s4  }
0x98: {  	_ =	strace $0x8FFFFFFF  }
0x99: {  	s19 =	sld [smem:$0x3FDB];
	_ =	sdelay $0x1  }
0x9a: {  	s5 =	simm.s32 $_scs_section_size  }
0x9b: {  	s6 =	simm.s32 $_size__tile_overlayer_lowered;
	s7 =	simm.s32 $_tile_overlayer_lowered  }
0x9c: {  	s22 =	simm.s32 $0x1BFF;
	s21 =	sshll.u32 s7, $0x1;
	s4 =	sadd.s32 s5, s19  }
0x9d: {  	s8 =	simm.s32 $0x0;
	s20 =	sshll.u32 s6, $0x1;
	s6 =	sadd.s32 s21, s4  }
0x9e: {  	[timem:s8], [sflag:s22] =	dma.local [hbm:s6], s20  }
0x9f: {  	_ =	swait.ge [sflag:s22], s20  }
0xa0: {  	s5 =	ssub.s32 $0x0, s20;
	[sflag:s22] =	ssyncset.done $0x0  }
0xa1: {  	[sflag:s22] =	ssyncadd.s32 s5;
	_ =	sdelay $0x1  }
0xa2: {  	s23 =	simm.s32 $0x1B8B  }
0xa3: {  	_ =	swait.ge [sflag:s23], $0x1  }
0xa4: {  	[sflag:s23] =	ssyncset.done $0x0  }
0xa5: {  	s25 =	simm.s32 $0x1B8E;
	s24 =	sld [smem:$0x3FFE];
	[sflag:s23] =	ssyncadd.s32 $0xFFFFFFFF  }
0xa6: {  	s26 =	simm.s32 $execute0_lowered;
	[smem:$0x3FD2] =	sst s25  }
0xa7: {  	s6 =	sshll.u32 s26, $0x1;
	_ =	strace $0x80000046;
	[dreg:$0x1] =	wrdreg $0xFFFFFFFF  }
0xa8: {  	s28 =	simm.s32 $_size_execute0_lowered;
	s4 =	sadd.s32 s4, s6;
	[dreg:$0x0] =	wrdreg $0x0  }
0xa9: {  	s6 =	sshll.u32 s28, $0x1;
	[dreg:$0x2] =	wrdreg s4  }
0xaa: {  	[dreg:$0x3] =	wrdreg s6  }
0xab: {  	[dreg:$0x4] =	wrdreg $0xC0  }
0xac: {  	_ =	task [dreg:s8], $0x5FFFF  }
0xad: {  	[dreg:$0x1] =	wrdreg $0xFFFFFFFF  }
0xae: {  	[dreg:$0x0] =	wrdreg $0x60  }
0xaf: {  	[dreg:$0x2] =	wrdreg s2  }
0xb0: {  	[dreg:$0x3] =	wrdreg s24  }
0xb1: {  	[dreg:$0x4] =	wrdreg s18  }
0xb2: {  	[dreg:$0x5] =	wrdreg $0x0  }
0xb3: {  	[dreg:$0x6] =	wrdreg $0x13C000  }
0xb4: {  	[dreg:$0x7] =	wrdreg $0x9  }
0xb5: {  	_ =	task.clear_ibuf [dreg:s8], $0x8FFFF;
	_ =	strace $0x90000046  }
0xb6: {  	s29 =	simm.s32 $0x9;
	_ =	strace $0x80000048  }
0xb7: {  	_ =	swait.ge [sflag:s29], $0x1  }
0xb8: {  	[sflag:s29] =	ssyncadd.s32 $0xFFFFFFFF  }
0xb9: {  	_ =	strace $0x90000048  }
0xba: {  	_ =	sfence  }
0xbb: {  	s30 =	sld [smem:$0x0];
	_ =	sdelay $0x2  }
0xbc: {  	s31 =	sshll.u32 s1, $0xD;
	s1 =	sshrl.u32 s1, $0x2  }
0xbd: {  	s3 =	sand.u32 $0x4000, s31;
	s1 =	sadd.s32 s1, s30  }
0xbe: {  	s0 =	sor.u32 s3, s0;
	s1 =	sshll.u32 s1, $0x11  }
0xbf: {  	s0 =	sor.u32 s1, s0  }
0xc0: {  	s0 =	sadd.s32 $0x8F2B, s0  }
0xc1: {  	[sflag:s0] =	ssyncadd.remote.s32 $0x1  }
0xc2: {  	_ =	sfence.sel $0xFFFF  }
0xc3: {  	[dreg:$0x0] =	wrdreg $0xFFFFFFFF;
	(pc) =	sbr.abs _section_cstart, $3  }
0xc4: {  	[dreg:$0x1] =	wrdreg $0xFFFFFFFF  }
0xc5: {  	_ =	task.clear_ibuf [dreg:s8], $0x2FFFF;
	_ =	strace $0x9FFFFFFF  }
0xc6: {  	(tm) =	ssettm $0x7FFFFFFF  }
0xc7: {  	_ =	shalt  }
tec
execute0_lowered:
.L_overlay_start_1:
0x0: {  	(tag) =	ssettag $0x1  }
0x1: {  	s1 =	rddreg [dreg:$0x0]  }
0x2: {  	s0 =	srdreg.scid;
	s2 =	rddreg [dreg:$0x1]  }
0x3: {  	s16 =	stileid.u32;
	s8 =	rddreg [dreg:$0x2]  }
0x4: {  	s5 =	simm.s32 $0x0;
	s28 =	simm.s32 $0x176D0;
	s29 =	simm.s32 $0x1EDE0  }
0x5: {  	s30 =	simm.s32 $0x1;
	s31 =	simm.s32 $0x2;
	s10 =	smul.u32 $0x13C00, s16  }
0x6: {  	s0 =	sand.u32 $0x1, s0;
	s3 =	sshll.u32 s16, $0x1;
	s12 =	smul.u32 $0x13C0, s16  }
0x7: {  	[smem:$0x7FF] =	sst s5;
	s6 =	sadd.s32 $0xB200, s2;
	s24 =	smul.u32 $0x278, s16  }
0x8: {  	s7 =	sadd.s32 $0xB000, s2;
	s15 =	sadd.s32 $0xAE00, s2;
	s11 =	smul.u32 $0x13C000, s0  }
0x9: {  	s4 =	sor.u32 s0, s3;
	s3 =	rddreg [dreg:$0x3];
	s14 =	smul.u32 $0x13C00, s0  }
0xa: {  	s0 =	ssub.s32 $0x2, s0;
	s9 =	smul.u32 $0x4E2, s4;
	s4 =	rddreg [dreg:$0x4]  }
0xb: {  	_ =	strace $0x80000047;
	[dreg:$0x6] =	wrdreg s15;
	s23 =	sshrl.u32 s0, $0x1  }
0xc: {  	s25 =	sadd.s32 $0x80, s24;
	s17 =	sadd.s32 $0x100, s24;
	s19 =	sadd.s32 $0x180, s24  }
0xd: {  	s15 =	simm.s32 $0x19D90;
	s11 =	sadd.s32 s10, s11;
	s14 =	sadd.s32 s12, s14  }
0xe: {  	s0 =	ssub.s32 s0, s23;
	s10 =	sadd.s32 s10, s3;
	s12 =	sadd.s32 s12, s4  }
0xf: {  	s26 =	sshll.u32 s25, $0x7;
	s18 =	sshll.u32 s17, $0x7;
	s17 =	sshll.u32 s17, $0x3  }
0x10: {  	s20 =	sshll.u32 s19, $0x7;
	s19 =	sshll.u32 s19, $0x3;
	s13 =	sadd.s32 s9, s2  }
0x11: {  	s11 =	sshrl.u32 s11, $0x3;
	s22 =	sshrl.u32 s14, $0x3;
	[dreg:$0x7] =	wrdreg s10  }
0x12: {  	s10 =	sshll.u32 s16, $0x6;
	[dreg:$0x8] =	wrdreg s12;
	s12 =	sshll.u32 s25, $0x3  }
0x13: {  	s16 =	sadd.s32 s26, s3;
	s18 =	sadd.s32 s18, s3;
	s17 =	sadd.s32 s17, s4  }
0x14: {  	s20 =	sadd.s32 s20, s3;
	s19 =	sadd.s32 s19, s4;
	s14 =	sadd.s32 $0x200, s24  }
0x15: {  	s8 =	sadd.s32 s8, s9;
	s0 =	smax.u32 s0, $0x1;
	s21 =	sadd.s32 s11, s2  }
0x16: {  	s2 =	sadd.s32 s22, s2;
	s11 =	sor.u32 $0x1C01, s10;
	[dreg:$0x9] =	wrdreg s8  }
0x17: {  	s12 =	sadd.s32 s12, s4;
	s13 =	sadd.s32 $0x1000, s13;
	[dreg:$0xd] =	wrdreg s0  }
0x18: {  	s9 =	sshll.u32 s14, $0x7;
	s22 =	sshrl.u32 s16, $0x3;
	[dreg:$0xa] =	wrdreg s13  }
0x19: {  	s14 =	sshll.u32 s14, $0x3;
	s24 =	sshrl.u32 s18, $0x3;
	[dreg:$0xe] =	wrdreg s22  }
0x1a: {  	s25 =	sshrl.u32 s17, $0x3;
	s26 =	sshrl.u32 s20, $0x3;
	[dreg:$0x10] =	wrdreg s24  }
0x1b: {  	s0 =	simm.s32 $0x4;
	s16 =	simm.s32 $0x0;
	[dreg:$0x11] =	wrdreg s25  }
0x1c: {  	s8 =	sadd.s32 s9, s3;
	s21 =	sadd.s32 $0x10A00, s21;
	[dreg:$0x12] =	wrdreg s26  }
0x1d: {  	s9 =	sadd.s32 s14, s4;
	s2 =	sadd.s32 $0xBA00, s2;
	[dreg:$0xb] =	wrdreg s21  }
0x1e: {  	s23 =	sshrl.u32 s12, $0x3;
	s12 =	simm.s32 $0x1C5E0;
	[dreg:$0xc] =	wrdreg s2  }
0x1f: {  	s13 =	simm.s32 $0x5;
	s14 =	simm.s32 $0x17720;
	[dreg:$0xf] =	wrdreg s23  }
0x20: {  	s23 =	sshrl.u32 s19, $0x3;
	s24 =	sshrl.u32 s8, $0x3;
	s25 =	sshrl.u32 s9, $0x3  }
0x21: {  	s2 =	simm.s32 $0x3;
	s8 =	simm.s32 $0x50;
	s9 =	simm.s32 $0x19DE0  }
.LBB2_1:
0x22: {  	s17 =	rddreg [dreg:$0x7]  }
0x23: {  	s18 =	sshrl.u32 s17, $0x3  }
0x24: {  	[spmem:s18], [sflag:s11] =	dma.local [hbm:s6], $0x800  }
0x25: {  	s22 =	rddreg [dreg:$0x8]  }
0x26: {  	s19 =	sor.u32 $0x1C02, s10;
	s17 =	sshrl.u32 s22, $0x3  }
0x27: {  	[spmem:s17], [sflag:s19] =	dma.local [hbm:s7], $0x80  }
0x28: {  	s20 =	rddreg [dreg:$0xe]  }
0x29: {  	[spmem:s20], [sflag:s19] =	dma.local [hbm:s6], $0x800  }
0x2a: {  	s26 =	sor.u32 $0x1C03, s10;
	s21 =	rddreg [dreg:$0xf]  }
0x2b: {  	[spmem:s21], [sflag:s26] =	dma.local [hbm:s7], $0x80  }
0x2c: {  	s21 =	rddreg [dreg:$0x10]  }
0x2d: {  	[spmem:s21], [sflag:s26] =	dma.local [hbm:s6], $0x800  }
0x2e: {  	s22 =	sor.u32 $0x1C04, s10;
	s21 =	rddreg [dreg:$0x11]  }
0x2f: {  	[spmem:s21], [sflag:s22] =	dma.local [hbm:s7], $0x80  }
0x30: {  	s21 =	rddreg [dreg:$0x12]  }
0x31: {  	[spmem:s21], [sflag:s22] =	dma.local [hbm:s6], $0x800  }
0x32: {  	[spmem:s23], [sflag:s11] =	dma.local [hbm:s7], $0x80  }
0x33: {  	[spmem:s24], [sflag:s11] =	dma.local [hbm:s6], $0x780  }
0x34: {  	[spmem:s25], [sflag:s19] =	dma.local [hbm:s7], $0x78  }
0x35: {  	s26 =	simm.s32 $0x14FC0;
	s19 =	rddreg [dreg:$0xa]  }
0x36: {  	[tilespmem:s26], [sflag:$0x3] =	stream.linear.gather [hbm4b:s19+s5], $0x2710, $0x38;
	[tilespmem:$0x1F060] =	vst v63  }
0x37: {  	s21 =	rddreg [dreg:$0x9]  }
0x38: {  	[tilespmem:s28], [sflag:$0x4] =	stream.linear.gather [hbm4b:s21+s5], $0x2710, $0x38;
	[tilespmem:$0x1F060] =	vst v63  }
0x39: {  	s22 =	rddreg [dreg:$0x6]  }
0x3a: {  	[tilespmem:s29], [sflag:$0x1] =	stream.linear.gather [hbm4b:s22+s5], $0x280, $0x38;
	[tilespmem:$0x1F060] =	vst v63  }
0x3b: {  	_ =	swait.ge [sflag:s30], $0x800  }
0x3c: {  	[sflag:s30] =	ssyncset.done $0x0  }
0x3d: {  	[sflag:s30] =	ssyncadd.s32 $0xFFFFF800  }
0x3e: {  	_ =	swait.ge [sflag:s31], $0x80  }
0x3f: {  	[sflag:s31] =	ssyncset.done $0x0  }
0x40: {  	[sflag:s31] =	ssyncadd.s32 $0xFFFFFF80  }
0x41: {  	_ =	swait.ge [sflag:s31], $0x800  }
0x42: {  	[sflag:s31] =	ssyncset.done $0x0  }
0x43: {  	[sflag:s31] =	ssyncadd.s32 $0xFFFFF800  }
0x44: {  	_ =	swait.ge [sflag:s2], $0x80  }
0x45: {  	[sflag:s2] =	ssyncset.done $0x0  }
0x46: {  	[sflag:s2] =	ssyncadd.s32 $0xFFFFFF80  }
0x47: {  	_ =	swait.ge [sflag:s2], $0x800  }
0x48: {  	[sflag:s2] =	ssyncset.done $0x0  }
0x49: {  	[sflag:s2] =	ssyncadd.s32 $0xFFFFF800  }
0x4a: {  	_ =	swait.ge [sflag:s0], $0x80  }
0x4b: {  	[sflag:s0] =	ssyncset.done $0x0  }
0x4c: {  	[sflag:s0] =	ssyncadd.s32 $0xFFFFFF80  }
0x4d: {  	_ =	swait.ge [sflag:s0], $0x800  }
0x4e: {  	[sflag:s0] =	ssyncset.done $0x0  }
0x4f: {  	[sflag:s0] =	ssyncadd.s32 $0xFFFFF800  }
0x50: {  	_ =	swait.ge [sflag:s30], $0x80  }
0x51: {  	[sflag:s30] =	ssyncset.done $0x0  }
0x52: {  	[sflag:s30] =	ssyncadd.s32 $0xFFFFFF80  }
0x53: {  	_ =	swait.ge [sflag:s30], $0x780  }
0x54: {  	[sflag:s30] =	ssyncset.done $0x0  }
0x55: {  	[sflag:s30] =	ssyncadd.s32 $0xFFFFF880  }
0x56: {  	_ =	swait.ge [sflag:s31], $0x78  }
0x57: {  	[sflag:s31] =	ssyncset.done $0x0  }
0x58: {  	[sflag:s31] =	ssyncadd.s32 $0xFFFFFF88  }
0x59: {  	_ =	swait.ge [sflag:s2], $0x2710  }
0x5a: {  	[sflag:s2] =	ssyncset.done $0x0  }
0x5b: {  	[sflag:s2] =	ssyncadd.s32 $0xFFFFD8F0  }
0x5c: {  	_ =	swait.ge [sflag:s0], $0x2710  }
0x5d: {  	[sflag:s0] =	ssyncset.done $0x0  }
0x5e: {  	[sflag:s0] =	ssyncadd.s32 $0xFFFFD8F0  }
0x5f: {  	_ =	swait.ge [sflag:s30], $0x280  }
0x60: {  	[sflag:s30] =	ssyncset.done $0x0  }
0x61: {  	[sflag:s30] =	ssyncadd.s32 $0xFFFFFD80  }
0x62: {  	[bflag:$0x0] =	sbarrier.arrive $0xFFFF  }
0x63: {  	[tilespmem:s9], [sflag:$0x1] =	stream.indirect.gather [hbm4b:s1+s8], $0x80, s26, s8, $0xb8;
	[tilespmem:$0x1F060] =	vst v63  }
0x64: {  	s26 =	simm.s32 $0x15010  }
0x65: {  	[tilespmem:s12], [sflag:$0x2] =	stream.indirect.gather [hbm4b:s1+s8], $0x80, s26, s8, $0xb8;
	[tilespmem:$0x1F060] =	vst v63  }
0x66: {  	_ =	swait.ge [sflag:s30], $0x2800  }
0x67: {  	[sflag:s30] =	ssyncset.done $0x0  }
0x68: {  	[sflag:s30] =	ssyncadd.s32 $0xFFFFD800  }
0x69: {  	[spmem:s3] =	stream.indirect.scatter.add.f32 [tilespmem:s9], [sflag:$0x5], $0x80, s28, s8, $0xb8;
	[tilespmem:$0x1F060] =	vst v63  }
0x6a: {  	_ =	swait.ge [sflag:s13], $0x2800  }
0x6b: {  	[sflag:s13] =	ssyncset.done $0x0  }
0x6c: {  	[sflag:s13] =	ssyncadd.s32 $0xFFFFD800  }
0x6d: {  	[spmem:s4] =	stream.indirect.scatter.add.f32 [tilespmem:s29], [sflag:$0x3], $0x8, s28, s8, $0xb8;
	[tilespmem:$0x1F060] =	vst v63  }
0x6e: {  	s20 =	simm.s32 $0x15060  }
0x6f: {  	[tilespmem:s9], [sflag:$0x1] =	stream.indirect.gather [hbm4b:s1+s8], $0x80, s20, s8, $0xb8;
	[tilespmem:$0x1F060] =	vst v63  }
0x70: {  	_ =	swait.ge [sflag:s31], $0x2800  }
0x71: {  	[sflag:s31] =	ssyncset.done $0x0  }
0x72: {  	[sflag:s31] =	ssyncadd.s32 $0xFFFFD800  }
0x73: {  	[spmem:s3] =	stream.indirect.scatter.add.f32 [tilespmem:s12], [sflag:$0x5], $0x80, s14, s8, $0xb8;
	[tilespmem:$0x1F060] =	vst v63  }
0x74: {  	_ =	swait.ge [sflag:s13], $0x2800  }
0x75: {  	[sflag:s13] =	ssyncset.done $0x0  }
0x76: {  	[sflag:s13] =	ssyncadd.s32 $0xFFFFD800  }
0x77: {  	[spmem:s4] =	stream.indirect.scatter.add.f32 [tilespmem:s29], [sflag:$0x4], $0x8, s14, s8, $0xb8;
	[tilespmem:$0x1F060] =	vst v63  }
0x78: {  	s21 =	simm.s32 $0x150B0  }
0x79: {  	[tilespmem:s12], [sflag:$0x2] =	stream.indirect.gather [hbm4b:s1+s8], $0x80, s21, s8, $0xb8;
	[tilespmem:$0x1F060] =	vst v63  }
0x7a: {  	_ =	swait.ge [sflag:s30], $0x2800  }
0x7b: {  	[sflag:s30] =	ssyncset.done $0x0  }
0x7c: {  	s22 =	simm.s32 $0x17770;
	[sflag:s30] =	ssyncadd.s32 $0xFFFFD800  }
0x7d: {  	[spmem:s3] =	stream.indirect.scatter.add.f32 [tilespmem:s9], [sflag:$0x5], $0x80, s22, s8, $0xb8;
	[tilespmem:$0x1F060] =	vst v63  }
0x7e: {  	_ =	swait.ge [sflag:s13], $0x2800  }
0x7f: {  	[sflag:s13] =	ssyncset.done $0x0  }
0x80: {  	[sflag:s13] =	ssyncadd.s32 $0xFFFFD800  }
0x81: {  	_ =	swait.ge [sflag:s2], $0x280  }
0x82: {  	[sflag:s2] =	ssyncset.done $0x0  }
0x83: {  	[sflag:s2] =	ssyncadd.s32 $0xFFFFFD80  }
0x84: {  	[spmem:s4] =	stream.indirect.scatter.add.f32 [tilespmem:s29], [sflag:$0x3], $0x8, s22, s8, $0xb8;
	[tilespmem:$0x1F060] =	vst v63  }
0x85: {  	s26 =	simm.s32 $0x15100  }
0x86: {  	[tilespmem:s9], [sflag:$0x1] =	stream.indirect.gather [hbm4b:s1+s8], $0x80, s26, s8, $0xb8;
	[tilespmem:$0x1F060] =	vst v63  }
0x87: {  	_ =	swait.ge [sflag:s31], $0x2800  }
0x88: {  	[sflag:s31] =	ssyncset.done $0x0  }
0x89: {  	s20 =	simm.s32 $0x177C0;
	[sflag:s31] =	ssyncadd.s32 $0xFFFFD800  }
0x8a: {  	[spmem:s3] =	stream.indirect.scatter.add.f32 [tilespmem:s12], [sflag:$0x5], $0x80, s20, s8, $0xb8;
	[tilespmem:$0x1F060] =	vst v63  }
0x8b: {  	_ =	swait.ge [sflag:s13], $0x2800  }
0x8c: {  	[sflag:s13] =	ssyncset.done $0x0  }
0x8d: {  	[sflag:s13] =	ssyncadd.s32 $0xFFFFD800  }
0x8e: {  	_ =	swait.ge [sflag:s0], $0x280  }
0x8f: {  	[sflag:s0] =	ssyncset.done $0x0  }
0x90: {  	s19 =	simm.s32 $0xFFFFDA80;
	s21 =	simm.s32 $0xFFFF6C80;
	[sflag:s0] =	ssyncadd.s32 $0xFFFFFD80  }
.LBB2_2:
0x91: {  	[spmem:s4] =	stream.indirect.scatter.add.f32 [tilespmem:s29], [sflag:$0x4], $0x8, s20, s8, $0xb8;
	[tilespmem:$0x1F060] =	vst v63  }
0x92: {  	s20 =	smov.u32 s21  }
0x93: {  	s22 =	sadd.s32 $0x280, s21;
	s26 =	sshra.s32 s20, $0x2;
	s20 =	sadd.s32 $0x176D0, s19  }
0x94: {  	[tilespmem:s12], [sflag:$0x2] =	stream.indirect.gather [hbm4b:s1+s8], $0x80, s20, s8, $0xb8;
	[tilespmem:$0x1F060] =	vst v63  }
0x95: {  	p0 =	sne.s32 s21, $0xFFFFFD80;
	_ =	swait.ge [sflag:s30], $0x2800  }
0x96: {  	[sflag:s30] =	ssyncset.done $0x0  }
0x97: {  	s20 =	sadd.s32 $0x19D90, s19;
	[sflag:s30] =	ssyncadd.s32 $0xFFFFD800  }
0x98: {  	[spmem:s3] =	stream.indirect.scatter.add.f32 [tilespmem:s9], [sflag:$0x5], $0x80, s20, s8, $0xb8;
	[tilespmem:$0x1F060] =	vst v63  }
0x99: {  	_ =	swait.ge [sflag:s13], $0x2800  }
0x9a: {  	[sflag:s13] =	ssyncset.done $0x0  }
0x9b: {  	[sflag:s13] =	ssyncadd.s32 $0xFFFFD800  }
0x9c: {  	_ =	swait.ge [sflag:s2], $0x280  }
0x9d: {  	[sflag:s2] =	ssyncset.done $0x0  }
0x9e: {  	[sflag:s2] =	ssyncadd.s32 $0xFFFFFD80  }
0x9f: {  	[spmem:s4] =	stream.indirect.scatter.add.f32 [tilespmem:s29], [sflag:$0x3], $0x8, s20, s8, $0xb8;
	[tilespmem:$0x1F060] =	vst v63  }
0xa0: {  	s20 =	sadd.s32 $0x17720, s19  }
0xa1: {  	[tilespmem:s9], [sflag:$0x1] =	stream.indirect.gather [hbm4b:s1+s8], $0x80, s20, s8, $0xb8;
	[tilespmem:$0x1F060] =	vst v63  }
0xa2: {  	_ =	swait.ge [sflag:s31], $0x2800  }
0xa3: {  	[sflag:s31] =	ssyncset.done $0x0  }
0xa4: {  	s20 =	sadd.s32 $0x19DE0, s19;
	s19 =	smov.u32 s26;
	[sflag:s31] =	ssyncadd.s32 $0xFFFFD800  }
0xa5: {  	[spmem:s3] =	stream.indirect.scatter.add.f32 [tilespmem:s12], [sflag:$0x5], $0x80, s20, s8, $0xb8;
	[tilespmem:$0x1F060] =	vst v63  }
0xa6: {  	_ =	swait.ge [sflag:s13], $0x2800  }
.Ltmp0:
0xa7: {  	[sflag:s13] =	ssyncset.done $0x0;
	(pc) =	sbr.rel @p0 .LBB2_2-.Ltmp0, $4  }
0xa8: {  	[sflag:s13] =	ssyncadd.s32 $0xFFFFD800  }
0xa9: {  	_ =	swait.ge [sflag:s0], $0x280  }
0xaa: {  	[sflag:s0] =	ssyncset.done $0x0  }
0xab: {  	s21 =	smov.u32 s22;
	[sflag:s0] =	ssyncadd.s32 $0xFFFFFD80  }
0xac: {  	[spmem:s4] =	stream.indirect.scatter.add.f32 [tilespmem:s29], [sflag:$0x4], $0x8, s20, s8, $0xb8;
	[tilespmem:$0x1F060] =	vst v63  }
0xad: {  	s22 =	sadd.s32 $0x176D0, s19  }
0xae: {  	[tilespmem:s12], [sflag:$0x2] =	stream.indirect.gather [hbm4b:s1+s8], $0x80, s22, s8, $0xb8;
	[tilespmem:$0x1F060] =	vst v63  }
0xaf: {  	_ =	swait.ge [sflag:s30], $0x2800  }
0xb0: {  	[sflag:s30] =	ssyncset.done $0x0  }
0xb1: {  	s26 =	sadd.s32 $0x19D90, s19;
	[sflag:s30] =	ssyncadd.s32 $0xFFFFD800  }
0xb2: {  	[spmem:s3] =	stream.indirect.scatter.add.f32 [tilespmem:s9], [sflag:$0x5], $0x80, s26, s8, $0xb8;
	[tilespmem:$0x1F060] =	vst v63  }
0xb3: {  	_ =	swait.ge [sflag:s13], $0x2800  }
0xb4: {  	[sflag:s13] =	ssyncset.done $0x0  }
0xb5: {  	[sflag:s13] =	ssyncadd.s32 $0xFFFFD800  }
0xb6: {  	_ =	swait.ge [sflag:s2], $0x280  }
0xb7: {  	[sflag:s2] =	ssyncset.done $0x0  }
0xb8: {  	[sflag:s2] =	ssyncadd.s32 $0xFFFFFD80  }
0xb9: {  	[spmem:s4] =	stream.indirect.scatter.add.f32 [tilespmem:s29], [sflag:$0x3], $0x8, s26, s8, $0xb8;
	[tilespmem:$0x1F060] =	vst v63  }
0xba: {  	s21 =	sadd.s32 $0x17720, s19  }
0xbb: {  	[tilespmem:s9], [sflag:$0x1] =	stream.indirect.gather [hbm4b:s1+s8], $0x80, s21, s8, $0xb8;
	[tilespmem:$0x1F060] =	vst v63  }
0xbc: {  	_ =	swait.ge [sflag:s31], $0x2800  }
0xbd: {  	[sflag:s31] =	ssyncset.done $0x0  }
0xbe: {  	s22 =	sadd.s32 $0x19DE0, s19;
	[sflag:s31] =	ssyncadd.s32 $0xFFFFD800  }
0xbf: {  	[spmem:s3] =	stream.indirect.scatter.add.f32 [tilespmem:s12], [sflag:$0x5], $0x80, s22, s8, $0xb8;
	[tilespmem:$0x1F060] =	vst v63  }
0xc0: {  	_ =	swait.ge [sflag:s13], $0x2800  }
0xc1: {  	[sflag:s13] =	ssyncset.done $0x0  }
0xc2: {  	[sflag:s13] =	ssyncadd.s32 $0xFFFFD800  }
0xc3: {  	_ =	swait.ge [sflag:s0], $0x280  }
0xc4: {  	[sflag:s0] =	ssyncset.done $0x0  }
0xc5: {  	[sflag:s0] =	ssyncadd.s32 $0xFFFFFD80  }
0xc6: {  	[spmem:s4] =	stream.indirect.scatter.add.f32 [tilespmem:s29], [sflag:$0x4], $0x8, s22, s8, $0xb8;
	[tilespmem:$0x1F060] =	vst v63  }
0xc7: {  	_ =	swait.ge [sflag:s30], $0x2800  }
0xc8: {  	[sflag:s30] =	ssyncset.done $0x0  }
0xc9: {  	[sflag:s30] =	ssyncadd.s32 $0xFFFFD800  }
0xca: {  	[spmem:s3] =	stream.indirect.scatter.add.f32 [tilespmem:s9], [sflag:$0x5], $0x80, s15, s8, $0xb8;
	[tilespmem:$0x1F060] =	vst v63  }
0xcb: {  	_ =	swait.ge [sflag:s13], $0x2800  }
0xcc: {  	[sflag:s13] =	ssyncset.done $0x0  }
0xcd: {  	[sflag:s13] =	ssyncadd.s32 $0xFFFFD800  }
0xce: {  	_ =	swait.ge [sflag:s2], $0x280  }
0xcf: {  	[sflag:s2] =	ssyncset.done $0x0  }
0xd0: {  	[sflag:s2] =	ssyncadd.s32 $0xFFFFFD80  }
0xd1: {  	[spmem:s4] =	stream.indirect.scatter.add.f32 [tilespmem:s29], [sflag:$0x3], $0x8, s15, s8, $0xb8;
	[tilespmem:$0x1F060] =	vst v63  }
0xd2: {  	_ =	swait.ge [sflag:s0], $0x280  }
0xd3: {  	[sflag:s0] =	ssyncset.done $0x0  }
0xd4: {  	[sflag:s0] =	ssyncadd.s32 $0xFFFFFD80  }
0xd5: {  	_ =	swait.ge [sflag:s2], $0x280  }
0xd6: {  	[sflag:s2] =	ssyncset.done $0x0  }
0xd7: {  	[sflag:s2] =	ssyncadd.s32 $0xFFFFFD80  }
0xd8: {  	[bflag:$0x0] =	sbarrier.arrive $0xFFFF  }
0xd9: {  	s26 =	sor.u32 $0x1C05, s10;
	s21 =	rddreg [dreg:$0xb]  }
0xda: {  	[hbm:s21], [sflag:s26] =	dma.local [spmem:s18], $0x2780  }
0xdb: {  	_ =	swait.ge [sflag:s13], $0x2780  }
0xdc: {  	[sflag:s13] =	ssyncset.done $0x0  }
0xdd: {  	s22 =	rddreg [dreg:$0xc];
	[sflag:s13] =	ssyncadd.s32 $0xFFFFD880  }
0xde: {  	[hbm:s22], [sflag:s26] =	dma.local [spmem:s17], $0x278  }
0xdf: {  	_ =	swait.ge [sflag:s13], $0x278  }
0xe0: {  	s16 =	sadd.s32 $0x1, s16;
	s26 =	rddreg [dreg:$0xd]  }
0xe1: {  	p0 =	sne.s32 s16, s26  }
.Ltmp1:
0xe2: {  	_ = 	snop;
	(pc) =	sbr.rel @p0 .LBB2_1-.Ltmp1, $3  }
0xe3: {  	_ =	sdelay $0x1  }
0xe4: {  	[sflag:s13] =	ssyncset.done $0x0  }
0xe5: {  	[sflag:s13] =	ssyncadd.s32 $0xFFFFFD88  }
0xe6: {  	_ =	sfence.sel $0x180000  }
0xe7: {  	[bflag:$0x0] =	sbarrier.arrive $0xFFFF  }
0xe8: {  	_ =	strace $0x90000047  }
0xe9: {  	s0 =	stileid.u32;
	[bflag:$0x2] =	sbarrier.arrive $0xFFFF  }
0xea: {  	p0 =	sne.s32 s0, $0x0;
	s0 =	rddreg [dreg:$0x5]  }
0xeb: {  	s0 =	sadd.s32 @!p0 $0x100000, s0  }
0xec: {  	[sflag:s0] =	ssyncadd.tile.s32 @!p0 $0x1;
	_ =	shalt  }
.Lfunc_end2:
_tile_overlayer_lowered:
.L_overlay_start_2:
0xed: {  	(tag) =	ssettag $0x2  }
0xee: {  	s0 =	rddreg [dreg:$0x0];
	s2 =	stileid.u32  }
0xef: {  	s1 =	rddreg [dreg:$0x1];
	p0 =	sne.s32 s2, $0x0  }
0xf0: {  	s3 =	rddreg [dreg:$0x2];
	[bflag:$0x3] =	sbarrier.arrive $0xFFFF;
	s2 =	simm.s32 @!p0 $0x1C05  }
0xf1: {  	[timem:s3], [sflag:s2] =	dma.local @!p0 [hbm:s0], s1  }
0xf2: {  	s0 =	simm.s32 @!p0 $0x5  }
0xf3: {  	_ =	swait.ge @!p0 [sflag:s0], s1  }
0xf4: {  	s1 =	ssub.s32 @!p0 $0x0, s1;
	[sflag:s0] =	ssyncset.done @!p0 $0x0  }
0xf5: {  	[sflag:s0] =	ssyncadd.s32 @!p0 s1  }
0xf6: {  	[bflag:$0x3] =	sbarrier.arrive $0xFFFF  }
0xf7: {  	_ =	shalt  }

</sc_bundles>
